<compile_context>
chip_gen: v7x
topology: tpu7x:2x2x1
jax: 0.10.2.dev20260603
libtpu: 0.0.44.dev20260713+nightly
codegen_flags: <defaults>
</compile_context>

<pallas_src>
import functools

import jax
import jax.numpy as jnp
import numpy as np
from jax import lax
from jax.experimental import pallas as pl
from jax.experimental.pallas import tpu as pltpu
from jax.experimental.pallas import tpu_sc as plsc

N_NODES = 10000
NPAD = 10240
TIME_DIM = 100
B = 4096
K = 20
BK = B * K
QD = 356
DH = QD // 2
P = 192
QP = 2 * P
KVW = 2 * QP
QSW = QP + 256
BLK_A = 512
BB = 128
NW = 32
ROWS_W = BK // NW
SRC_W = B // NW
F32 = jnp.float32
BF16 = jnp.bfloat16


def _padhead(m):
    z = jnp.zeros((m.shape[0], QP), F32)
    z = z.at[:, :DH].set(m[:, :DH])
    z = z.at[:, P:P + DH].set(m[:, DH:])
    return z


def _tables_body(nf, mem, pos, p1t, p1b, p2t, p2b, w1a, w1b, b1, w11t, b11,
                 w2a, w2b, b2, w22t, b22, wq, cq, wk, ck, wv, cv,
                 kv_o, qs_o):
    dot = functools.partial(jnp.dot, preferred_element_type=F32)
    feats = nf[...] + mem[...]
    h = jnp.maximum(dot(pos[...], p1t[...]) + p1b[...], 0.0)
    pe = dot(h, p2t[...]) + p2b[...]
    h1 = jnp.maximum(dot(feats, w1a[...]) + dot(pe, w1b[...]) + b1[...], 0.0)
    h1 = dot(h1, w11t[...]) + b11[...]
    h2 = jnp.maximum(dot(feats, w2a[...]) + dot(pe, w2b[...]) + b2[...], 0.0)
    h2 = dot(h2, w22t[...]) + b22[...]
    qs_o[:, :QP] = dot(h1, wq[...]) + cq[...]
    qs_o[:, QP:] = h1
    kb = (dot(h2, wk[...]) + ck[...]).astype(BF16).astype(F32)
    vb = (dot(h2, wv[...]) + cv[...]).astype(BF16).astype(F32)
    kbits = lax.bitcast_convert_type(kb, jnp.uint32)
    vbits = lax.bitcast_convert_type(vb, jnp.uint32)
    word = (kbits >> jnp.uint32(16)) | (vbits & jnp.uint32(0xFFFF0000))
    kv_o[...] = lax.bitcast_convert_type(word, F32)


def _attn_body(qs, kv, er, delta, nbr, tw, tb, wtk, wtv, wek, wev, wout, outb,
               m1a, m1b, mb1, m2t, mb2, out_o):
    dot = functools.partial(jnp.dot, preferred_element_type=F32)
    t_emb = jnp.cos(delta[...] * tw[...] + tb[...]).astype(BF16)
    bits = lax.bitcast_convert_type(kv[...], jnp.uint32)
    er16 = er[:, :16].astype(BF16)
    kf = (lax.bitcast_convert_type(bits << jnp.uint32(16), F32)
          + dot(t_emb, wtk[...]) + dot(er16, wek[...]))
    vf = (lax.bitcast_convert_type(bits & jnp.uint32(0xFFFF0000), F32)
          + dot(t_emb, wtv[...]) + dot(er16, wev[...]))
    k3 = kf.reshape(BB, K, QP)
    v3 = vf.reshape(BB, K, QP)
    q = qs[:, 0:QP]
    s = qs[:, QP:QSW]
    qk = q[:, None, :] * k3
    scale = np.float32(1.0 / np.sqrt(DH))
    s0 = jnp.sum(qk[:, :, 0:P], axis=-1) * scale
    s1 = jnp.sum(qk[:, :, P:QP], axis=-1) * scale
    nb = nbr[...]
    mask = nb == 0
    invalid = jnp.all(mask, axis=1, keepdims=True)
    col = lax.broadcasted_iota(jnp.int32, (BB, K), 1)
    mask = jnp.logical_and(mask,
                           jnp.logical_not(jnp.logical_and(invalid, col == 0)))
    s0 = jnp.where(mask, -1e30, s0)
    s1 = jnp.where(mask, -1e30, s1)

    def _softmax(x):
        m = jnp.max(x, axis=1, keepdims=True)
        e = jnp.exp(x - m)
        return e / jnp.sum(e, axis=1, keepdims=True)

    a0 = _softmax(s0)
    a1 = _softmax(s1)
    ctx0 = jnp.sum(a0[:, :, None] * v3[:, :, 0:P], axis=1)
    ctx1 = jnp.sum(a1[:, :, None] * v3[:, :, P:QP], axis=1)
    ctx = jnp.concatenate([ctx0, ctx1], axis=1)
    ao = dot(ctx, wout[...]) + outb[...]
    ao = jnp.where(invalid, 0.0, ao)
    hm = jnp.maximum(dot(ao, m1a[...]) + dot(s, m1b[...]) + mb1[...], 0.0)
    out_o[...] = dot(hm, m2t[...]) + mb2[...]


def _sc_gather(kv_tab, e_tab, qs_tab, nb_idx, ei_idx, src_idx):
    mesh = plsc.VectorSubcoreMesh(core_axis_name="c", subcore_axis_name="s")

    @functools.partial(
        pl.kernel, mesh=mesh,
        out_type=(jax.ShapeDtypeStruct((BK, QP), F32),
                  jax.ShapeDtypeStruct((BK, 128), F32),
                  jax.ShapeDtypeStruct((B, QSW), F32)),
        scratch_types=[pltpu.VMEM((ROWS_W,), jnp.int32),
                       pltpu.VMEM((ROWS_W,), jnp.int32),
                       pltpu.VMEM((SRC_W,), jnp.int32),
                       pltpu.VMEM((128, QP), F32),
                       pltpu.VMEM((128, 128), F32),
                       pltpu.VMEM((64, QSW), F32),
                       pltpu.SemaphoreType.DMA],
    )
    def k(kv_t, e_t, qs_t, nbi, eii, srci, kv_o, e_o, qs_o,
          nbv, eiv, srcv, kvbuf, ebuf, qsbuf, sem):
        wid = lax.axis_index("s") * 2 + lax.axis_index("c")
        bn = wid * ROWS_W
        bb = wid * SRC_W
        pltpu.sync_copy(nbi.at[pl.ds(bn, ROWS_W)], nbv)
        pltpu.sync_copy(eii.at[pl.ds(bn, ROWS_W)], eiv)
        pltpu.sync_copy(srci.at[pl.ds(bb, SRC_W)], srcv)

        def kv_chunk(c, carry):
            pltpu.async_copy(kv_t.at[nbv.at[pl.ds(c * 128, 128)]], kvbuf, sem).wait()
            pltpu.sync_copy(kvbuf, kv_o.at[pl.ds(bn + c * 128, 128)])
            return carry

        lax.fori_loop(0, ROWS_W // 128, kv_chunk, 0)

        def e_chunk(c, carry):
            pltpu.async_copy(e_t.at[eiv.at[pl.ds(c * 128, 128)]], ebuf, sem).wait()
            pltpu.sync_copy(ebuf, e_o.at[pl.ds(bn + c * 128, 128)])
            return carry

        lax.fori_loop(0, ROWS_W // 128, e_chunk, 0)

        def qs_chunk(c, carry):
            pltpu.async_copy(qs_t.at[srcv.at[pl.ds(c * 64, 64)]], qsbuf, sem).wait()
            pltpu.sync_copy(qsbuf, qs_o.at[pl.ds(bb + c * 64, 64)])
            return carry

        lax.fori_loop(0, SRC_W // 64, qs_chunk, 0)

    return k(kv_tab, e_tab, qs_tab, nb_idx, ei_idx, src_idx)


def kernel(params, node_features, edge_features, memory, position_memory,
           timestamps, edge_times, source_nodes, neighbors, edge_idxs):
    p = params
    padn = ((0, NPAD - N_NODES), (0, 0))
    nf = jnp.pad(node_features, padn)
    mem = jnp.pad(memory, padn)
    pos = jnp.pad(position_memory, padn)

    row = lambda v: v[None, :].astype(F32)
    p1t = p['pos_w1'].T
    p2t = p['pos_w2'].T
    w1a = p['lin1_w'][:, :256].T
    w1b = p['lin1_w'][:, 256:].T
    w11t = p['lin11_w'].T
    w2a = p['lin2_w'][:, :256].T
    w2b = p['lin2_w'][:, 256:].T
    w22t = p['lin22_w'].T
    tconst = jnp.cos(p['time_b'])
    wq = _padhead(p['q_w'][:, :256].T)
    cq = _padhead((tconst @ p['q_w'][:, 256:].T + p['q_b'])[None, :])
    wk = _padhead(p['k_w'][:, :256].T)
    ck = _padhead(p['k_b'][None, :])
    wv = _padhead(p['v_w'][:, :256].T)
    cv = _padhead(p['v_b'][None, :])

    grid_a = NPAD // BLK_A
    full = lambda shape: pl.BlockSpec(shape, lambda i: (0, 0))
    blk = lambda w: pl.BlockSpec((BLK_A, w), lambda i: (i, 0))
    kv_tab, qs_tab = pl.pallas_call(
        _tables_body,
        grid=(grid_a,),
        in_specs=[blk(256), blk(256), blk(8),
                  full((8, 16)), full((1, 16)), full((16, 12)), full((1, 12)),
                  full((256, 256)), full((12, 256)), full((1, 256)),
                  full((256, 256)), full((1, 256)),
                  full((256, 256)), full((12, 256)), full((1, 256)),
                  full((256, 256)), full((1, 256)),
                  full((256, QP)), full((1, QP)),
                  full((256, QP)), full((1, QP)),
                  full((256, QP)), full((1, QP))],
        out_specs=[blk(QP), blk(QSW)],
        out_shape=[jax.ShapeDtypeStruct((NPAD, QP), F32),
                   jax.ShapeDtypeStruct((NPAD, QSW), F32)],
    )(nf, mem, pos, p1t, row(p['pos_b1']), p2t, row(p['pos_b2']),
      w1a, w1b, row(p['lin1_b']), w11t, row(p['lin11_b']),
      w2a, w2b, row(p['lin2_b']), w22t, row(p['lin22_b']),
      wq, cq, wk, ck, wv, cv)

    nb_flat = neighbors.reshape(-1).astype(jnp.int32)
    ei_flat = edge_idxs.reshape(-1).astype(jnp.int32)
    src = source_nodes.astype(jnp.int32)
    ef = jnp.pad(edge_features, ((0, 0), (0, 112)))
    kv_rows, e_rows, qs_rows = _sc_gather(kv_tab, ef, qs_tab,
                                          nb_flat, ei_flat, src)

    delta = (timestamps[:, None] - edge_times).reshape(-1, 1)
    wtk = _padhead(p['k_w'][:, 272:].T).astype(BF16)
    wtv = _padhead(p['v_w'][:, 272:].T).astype(BF16)
    wek = _padhead(p['k_w'][:, 256:272].T).astype(BF16)
    wev = _padhead(p['v_w'][:, 256:272].T).astype(BF16)
    wout = jnp.zeros((QP, QP), F32)
    owt = p['out_w'].T
    wout = wout.at[0:DH, 0:QD].set(owt[0:DH, :])
    wout = wout.at[P:P + DH, 0:QD].set(owt[DH:QD, :])
    outb = jnp.zeros((1, QP), F32).at[0, :QD].set(p['out_b'])
    m1a = jnp.zeros((QP, 256), F32).at[0:QD, :].set(p['mrg_w1'][:, :QD].T)
    m1b = p['mrg_w1'][:, QD:].T
    grid_c = B // BB
    fullc = lambda shape: pl.BlockSpec(shape, lambda i: (0, 0))
    out = pl.pallas_call(
        _attn_body,
        grid=(grid_c,),
        in_specs=[pl.BlockSpec((BB, QSW), lambda i: (i, 0)),
                  pl.BlockSpec((BB * K, QP), lambda i: (i, 0)),
                  pl.BlockSpec((BB * K, 128), lambda i: (i, 0)),
                  pl.BlockSpec((BB * K, 1), lambda i: (i, 0)),
                  pl.BlockSpec((BB, K), lambda i: (i, 0)),
                  fullc((1, TIME_DIM)), fullc((1, TIME_DIM)),
                  fullc((TIME_DIM, QP)), fullc((TIME_DIM, QP)),
                  fullc((16, QP)), fullc((16, QP)),
                  fullc((QP, QP)), fullc((1, QP)),
                  fullc((QP, 256)), fullc((256, 256)), fullc((1, 256)),
                  fullc((256, 256)), fullc((1, 256))],
        out_specs=[pl.BlockSpec((BB, 256), lambda i: (i, 0))],
        out_shape=[jax.ShapeDtypeStruct((B, 256), F32)],
    )(qs_rows, kv_rows, e_rows, delta, neighbors.astype(jnp.int32),
      row(p['time_w'][:, 0]), row(p['time_b']), wtk, wtv, wek, wev, wout, outb,
      m1a, m1b, row(p['mrg_b1']), p['mrg_w2'].T, row(p['mrg_b2']))[0]
    return out

# --- scband reference (transcript-rebuilt; emitter-appended) ---
"""Pipeline reference for scband-position-attention-embedding-64587718197612 (READ-ONLY COPY).

The authoritative reference and input builder live on the scoring server;
editing this copy changes nothing except your own understanding.
"""

import jax, jax.numpy as jnp
import numpy as np

N_NODES = 10000
N_EDGES = 160000
D_NODE = 256
D_EDGE = 16
TIME_DIM = 100
EMB_DIM = 256
N_HEADS = 2
POS_DIM = 8
POS_EMB_DIM = 12
B = 4096
N_NEIGH = 20
QUERY_DIM = EMB_DIM + TIME_DIM            # 356
KEY_DIM = EMB_DIM + TIME_DIM + D_EDGE     # 372


def _linear(x, w, b):
    return x @ w.T + b


def _glorot(key, shape):
    fan_in = shape[-1]
    return jax.random.normal(key, shape, jnp.float32) * (1.0 / np.sqrt(fan_in))


def _make_params(key):
    ks = jax.random.split(key, 16)
    z = lambda n: jnp.zeros((n,), jnp.float32)
    return {
        'time_w': _glorot(ks[0], (TIME_DIM, 1)), 'time_b': z(TIME_DIM),
        'pos_w1': _glorot(ks[1], (POS_DIM * 2, POS_DIM)), 'pos_b1': z(POS_DIM * 2),
        'pos_w2': _glorot(ks[2], (POS_EMB_DIM, POS_DIM * 2)), 'pos_b2': z(POS_EMB_DIM),
        'lin1_w': _glorot(ks[3], (EMB_DIM, D_NODE + POS_EMB_DIM)), 'lin1_b': z(EMB_DIM),
        'lin11_w': _glorot(ks[4], (EMB_DIM, EMB_DIM)), 'lin11_b': z(EMB_DIM),
        'lin2_w': _glorot(ks[5], (EMB_DIM, D_NODE + POS_EMB_DIM)), 'lin2_b': z(EMB_DIM),
        'lin22_w': _glorot(ks[6], (EMB_DIM, EMB_DIM)), 'lin22_b': z(EMB_DIM),
        'q_w': _glorot(ks[7], (QUERY_DIM, QUERY_DIM)), 'q_b': z(QUERY_DIM),
        'k_w': _glorot(ks[8], (QUERY_DIM, KEY_DIM)), 'k_b': z(QUERY_DIM),
        'v_w': _glorot(ks[9], (QUERY_DIM, KEY_DIM)), 'v_b': z(QUERY_DIM),
        'out_w': _glorot(ks[10], (QUERY_DIM, QUERY_DIM)), 'out_b': z(QUERY_DIM),
        'mrg_w1': _glorot(ks[11], (EMB_DIM, QUERY_DIM + EMB_DIM)), 'mrg_b1': z(EMB_DIM),
        'mrg_w2': _glorot(ks[12], (D_NODE, EMB_DIM)), 'mrg_b2': z(D_NODE),
    }


def setup_inputs(seed: int = 0) -> dict:
    key = jax.random.key(seed)
    ks = jax.random.split(key, 12)
    node_features = jax.random.normal(ks[0], (N_NODES, D_NODE), jnp.float32)
    edge_features = jax.random.normal(ks[1], (N_EDGES, D_EDGE), jnp.float32)
    memory = jax.random.normal(ks[2], (N_NODES, D_NODE), jnp.float32)
    position_memory = jax.random.normal(ks[3], (N_NODES, POS_DIM), jnp.float32)
    source_nodes = jax.random.randint(ks[4], (B,), 0, N_NODES)
    timestamps = jax.random.uniform(ks[5], (B,), jnp.float32) * 1000.0 + 1000.0
    neighbors = jax.random.randint(ks[6], (B, N_NEIGH), 0, N_NODES)
    edge_idxs = jax.random.randint(ks[7], (B, N_NEIGH), 0, N_EDGES)
    edge_times = jax.random.uniform(ks[8], (B, N_NEIGH), jnp.float32) * 1000.0
    params = _make_params(ks[9])
    return {'params': params, 'node_features': node_features, 'edge_features': edge_features,
            'memory': memory, 'position_memory': position_memory, 'timestamps': timestamps,
            'edge_times': edge_times, 'source_nodes': source_nodes, 'neighbors': neighbors,
            'edge_idxs': edge_idxs}


def _time_encode(t, params):
    # TGN TimeEncode: cos(Linear(1 -> time_dim)(t))
    return jnp.cos(t[..., None] * params['time_w'][:, 0] + params['time_b'])


def _layer0(params, node_features, memory, position_memory, idx):
    # n_layers == 0 base case: (memory + node features) concat position embedding
    feats = jnp.take(node_features, idx, axis=0) + jnp.take(memory, idx, axis=0)
    pos = jnp.take(position_memory, idx, axis=0)
    h = jax.nn.relu(_linear(pos, params['pos_w1'], params['pos_b1']))
    pos_emb = _linear(h, params['pos_w2'], params['pos_b2'])
    return jnp.concatenate([feats, pos_emb], axis=-1)


def _forward(params, node_features, edge_features, memory, position_memory,
             timestamps, edge_times, source_nodes, neighbors, edge_idxs):
    b = source_nodes.shape[0]
    src_time_emb = _time_encode(jnp.zeros((b, 1), jnp.float32), params)   # [B,1,T]
    src_conv = _layer0(params, node_features, memory, position_memory, source_nodes)  # [B,268]
    neigh_conv = _layer0(params, node_features, memory, position_memory, neighbors.reshape(-1))
    neigh_conv = neigh_conv.reshape(b, N_NEIGH, -1)                        # [B,K,268]
    edge_deltas = timestamps[:, None] - edge_times                         # [B,K]
    edge_time_emb = _time_encode(edge_deltas, params)                      # [B,K,T]
    e_feats = jnp.take(edge_features, edge_idxs, axis=0)                   # [B,K,De]
    mask = neighbors == 0                                                  # [B,K]
    # aggregate (layer 1): position-aware projections then temporal attention
    src_h = _linear(jax.nn.relu(_linear(src_conv, params['lin1_w'], params['lin1_b'])),
                    params['lin11_w'], params['lin11_b'])                  # [B,256]
    neigh_h = _linear(jax.nn.relu(_linear(neigh_conv, params['lin2_w'], params['lin2_b'])),
                      params['lin22_w'], params['lin22_b'])                # [B,K,256]
    query = jnp.concatenate([src_h[:, None, :], src_time_emb], axis=2)     # [B,1,356]
    keyt = jnp.concatenate([neigh_h, e_feats, edge_time_emb], axis=2)      # [B,K,372]
    invalid = jnp.all(mask, axis=1, keepdims=True)                         # [B,1]
    mask = mask.at[:, 0].set(jnp.where(invalid[:, 0], False, mask[:, 0]))
    q = _linear(query, params['q_w'], params['q_b'])
    k = _linear(keyt, params['k_w'], params['k_b'])
    v = _linear(keyt, params['v_w'], params['v_b'])
    d_h = QUERY_DIM // N_HEADS
    q = q.reshape(b, 1, N_HEADS, d_h).transpose(0, 2, 1, 3)
    k = k.reshape(b, N_NEIGH, N_HEADS, d_h).transpose(0, 2, 1, 3)
    v = v.reshape(b, N_NEIGH, N_HEADS, d_h).transpose(0, 2, 1, 3)
    scores = jnp.einsum('bhqd,bhkd->bhqk', q, k) / np.sqrt(d_h)
    scores = jnp.where(mask[:, None, None, :], -1e30, scores)
    attn = jax.nn.softmax(scores, axis=-1)
    ctx = jnp.einsum('bhqk,bhkd->bhqd', attn, v)
    ctx = ctx.transpose(0, 2, 1, 3).reshape(b, QUERY_DIM)
    attn_out = _linear(ctx, params['out_w'], params['out_b'])
    attn_out = jnp.where(invalid, 0.0, attn_out)
    # MergeLayer
    h = jax.nn.relu(_linear(jnp.concatenate([attn_out, src_h], axis=1),
                            params['mrg_w1'], params['mrg_b1']))
    out = _linear(h, params['mrg_w2'], params['mrg_b2'])
    return out


def reference(params, node_features, edge_features, memory, position_memory,
              timestamps, edge_times, source_nodes, neighbors, edge_idxs):
    return _forward(params, node_features, edge_features, memory, position_memory,
                    timestamps, edge_times, source_nodes, neighbors, edge_idxs)

if __name__ == "__main__":
    import jax
    _d = setup_inputs()
    print(jax.jit(kernel)(*tuple(_d.values())))

</pallas_src>

<mosaic_0001>
#map = affine_map<(d0, d1) -> (0, 0)>
#map1 = affine_map<(d0, d1) -> (0)>
module attributes {stable_mosaic.version = 14 : i64} {
  func.func @k(%arg0: i32, %arg1: i32, %arg2: memref<10240x384xf32, #tpu.memory_space<hbm>>, %arg3: memref<160000x128xf32, #tpu.memory_space<hbm>>, %arg4: memref<10240x640xf32, #tpu.memory_space<hbm>>, %arg5: memref<81920xi32, #tpu.memory_space<hbm>>, %arg6: memref<81920xi32, #tpu.memory_space<hbm>>, %arg7: memref<4096xi32, #tpu.memory_space<hbm>>, %arg8: memref<81920x384xf32, #tpu.memory_space<hbm>>, %arg9: memref<81920x128xf32, #tpu.memory_space<hbm>>, %arg10: memref<4096x640xf32, #tpu.memory_space<hbm>>, %arg11: memref<2560xi32, #tpu.memory_space<vmem>>, %arg12: memref<2560xi32, #tpu.memory_space<vmem>>, %arg13: memref<128xi32, #tpu.memory_space<vmem>>, %arg14: memref<128x384xf32, #tpu.memory_space<vmem>>, %arg15: memref<128x128xf32, #tpu.memory_space<vmem>>, %arg16: memref<64x640xf32, #tpu.memory_space<vmem>>, %arg17: memref<!tpu.dma_semaphore, #tpu.memory_space<semaphore_mem>>) attributes {dimension_semantics = [#tpu.dimension_semantics<core_parallel>, #tpu.dimension_semantics<subcore_parallel>], iteration_bounds = array<i64: 2, 16>, scalar_prefetch = 0 : i64, scratch_operands = 7 : i64, tpu.core_type = #tpu.core_type<sc_vector_subcore>, window_params = [{transform_indices = #map}, {transform_indices = #map}, {transform_indices = #map}, {transform_indices = #map1}, {transform_indices = #map1}, {transform_indices = #map1}, {transform_indices = #map}, {transform_indices = #map}, {transform_indices = #map}]} {
    %mul3A = arith.constant 2 : i32
    %mul3A_0 = arith.muli %arg1, %mul3A : i32
    %add3A = arith.addi %mul3A_0, %arg0 : i32
    %mul3A_1 = arith.constant 2560 : i32
    %mul3A_2 = arith.muli %add3A, %mul3A_1 : i32
    %mul3A_3 = arith.constant 128 : i32
    %mul3A_4 = arith.muli %add3A, %mul3A_3 : i32
    "tpu.region"() ({
      %run_scoped3A = tpu.sem_alloc : memref<!tpu.dma_semaphore, #tpu.memory_space<semaphore_mem>>
      %dma_start3A = tpu.memref_slice %arg5[%mul3A_2] : memref<81920xi32, #tpu.memory_space<hbm>> -> memref<2560xi32, #tpu.memory_space<hbm>>
      %dma_start3A_22 = tpu.memref_slice %arg5[%mul3A_2] : memref<81920xi32, #tpu.memory_space<hbm>> -> memref<2560xi32, #tpu.memory_space<hbm>>
      tpu.enqueue_dma source(%dma_start3A_22 : memref<2560xi32, #tpu.memory_space<hbm>>) target(%arg11 : memref<2560xi32, #tpu.memory_space<vmem>>) target_semaphore(%run_scoped3A : memref<!tpu.dma_semaphore, #tpu.memory_space<semaphore_mem>>)
      %dma_wait3A = tpu.memref_slice %arg5[%mul3A_2] : memref<81920xi32, #tpu.memory_space<hbm>> -> memref<2560xi32, #tpu.memory_space<hbm>>
      %dma_wait3A_23 = tpu.memref_slice %arg5[%mul3A_2] : memref<81920xi32, #tpu.memory_space<hbm>> -> memref<2560xi32, #tpu.memory_space<hbm>>
      tpu.wait_dma2 semaphore(%run_scoped3A : memref<!tpu.dma_semaphore, #tpu.memory_space<semaphore_mem>>) src(%dma_wait3A_23 : memref<2560xi32, #tpu.memory_space<hbm>>) dst(%arg11 : memref<2560xi32, #tpu.memory_space<vmem>>)
      tpu.yield
    }) : () -> ()
    "tpu.region"() ({
      %run_scoped3A = tpu.sem_alloc : memref<!tpu.dma_semaphore, #tpu.memory_space<semaphore_mem>>
      %dma_start3A = tpu.memref_slice %arg6[%mul3A_2] : memref<81920xi32, #tpu.memory_space<hbm>> -> memref<2560xi32, #tpu.memory_space<hbm>>
      %dma_start3A_22 = tpu.memref_slice %arg6[%mul3A_2] : memref<81920xi32, #tpu.memory_space<hbm>> -> memref<2560xi32, #tpu.memory_space<hbm>>
      tpu.enqueue_dma source(%dma_start3A_22 : memref<2560xi32, #tpu.memory_space<hbm>>) target(%arg12 : memref<2560xi32, #tpu.memory_space<vmem>>) target_semaphore(%run_scoped3A : memref<!tpu.dma_semaphore, #tpu.memory_space<semaphore_mem>>)
      %dma_wait3A = tpu.memref_slice %arg6[%mul3A_2] : memref<81920xi32, #tpu.memory_space<hbm>> -> memref<2560xi32, #tpu.memory_space<hbm>>
      %dma_wait3A_23 = tpu.memref_slice %arg6[%mul3A_2] : memref<81920xi32, #tpu.memory_space<hbm>> -> memref<2560xi32, #tpu.memory_space<hbm>>
      tpu.wait_dma2 semaphore(%run_scoped3A : memref<!tpu.dma_semaphore, #tpu.memory_space<semaphore_mem>>) src(%dma_wait3A_23 : memref<2560xi32, #tpu.memory_space<hbm>>) dst(%arg12 : memref<2560xi32, #tpu.memory_space<vmem>>)
      tpu.yield
    }) : () -> ()
    "tpu.region"() ({
      %run_scoped3A = tpu.sem_alloc : memref<!tpu.dma_semaphore, #tpu.memory_space<semaphore_mem>>
      %dma_start3A = tpu.memref_slice %arg7[%mul3A_4] : memref<4096xi32, #tpu.memory_space<hbm>> -> memref<128xi32, #tpu.memory_space<hbm>>
      %dma_start3A_22 = tpu.memref_slice %arg7[%mul3A_4] : memref<4096xi32, #tpu.memory_space<hbm>> -> memref<128xi32, #tpu.memory_space<hbm>>
      tpu.enqueue_dma source(%dma_start3A_22 : memref<128xi32, #tpu.memory_space<hbm>>) target(%arg13 : memref<128xi32, #tpu.memory_space<vmem>>) target_semaphore(%run_scoped3A : memref<!tpu.dma_semaphore, #tpu.memory_space<semaphore_mem>>)
      %dma_wait3A = tpu.memref_slice %arg7[%mul3A_4] : memref<4096xi32, #tpu.memory_space<hbm>> -> memref<128xi32, #tpu.memory_space<hbm>>
      %dma_wait3A_23 = tpu.memref_slice %arg7[%mul3A_4] : memref<4096xi32, #tpu.memory_space<hbm>> -> memref<128xi32, #tpu.memory_space<hbm>>
      tpu.wait_dma2 semaphore(%run_scoped3A : memref<!tpu.dma_semaphore, #tpu.memory_space<semaphore_mem>>) src(%dma_wait3A_23 : memref<128xi32, #tpu.memory_space<hbm>>) dst(%arg13 : memref<128xi32, #tpu.memory_space<vmem>>)
      tpu.yield
    }) : () -> ()
    %scan3A = arith.constant 0 : i32
    %scan3A_5 = arith.constant 0 : i32
    %scan3A_6 = arith.constant 20 : i32
    %scan3A_7 = arith.addi %scan3A_5, %scan3A_6 : i32
    %scan3A_8 = arith.constant 1 : i32
    scf.for %scan3A_22 = %scan3A_5 to %scan3A_7 step %scan3A_8  : i32 {
      %mul3A_23 = arith.constant 128 : i32
      %mul3A_24 = arith.muli %scan3A_22, %mul3A_23 : i32
      %dma_start3A = tpu.memref_slice %arg11[%mul3A_24] : memref<2560xi32, #tpu.memory_space<vmem>> -> memref<128xi32, #tpu.memory_space<vmem>>
      %dma_start3A_25 = arith.constant 0 : i32
      %dma_start3A_26 = arith.constant 0 : i32
      %dma_start3A_27 = tpu.memref_slice %arg2[%dma_start3A_25, %dma_start3A_26] : memref<10240x384xf32, #tpu.memory_space<hbm>> -> memref<10240x384xf32, #tpu.memory_space<hbm>>
      tpu.enqueue_indirect_dma source(%dma_start3A_27 : memref<10240x384xf32, #tpu.memory_space<hbm>>) target(%arg14 : memref<128x384xf32, #tpu.memory_space<vmem>>) offsets(%dma_start3A : memref<128xi32, #tpu.memory_space<vmem>>) semaphore(%arg17 : memref<!tpu.dma_semaphore, #tpu.memory_space<semaphore_mem>>)
      %dma_wait3A = tpu.memref_slice %arg11[%mul3A_24] : memref<2560xi32, #tpu.memory_space<vmem>> -> memref<128xi32, #tpu.memory_space<vmem>>
      %dma_wait3A_28 = arith.constant 0 : i32
      %dma_wait3A_29 = arith.constant 0 : i32
      %dma_wait3A_30 = tpu.memref_slice %arg2[%dma_wait3A_28, %dma_wait3A_29] : memref<10240x384xf32, #tpu.memory_space<hbm>> -> memref<10240x384xf32, #tpu.memory_space<hbm>>
      tpu.wait_indirect_dma semaphore(%arg17 : memref<!tpu.dma_semaphore, #tpu.memory_space<semaphore_mem>>) src(%dma_wait3A_30 : memref<10240x384xf32, #tpu.memory_space<hbm>>) dst(%arg14 : memref<128x384xf32, #tpu.memory_space<vmem>>)
      %mul3A_31 = arith.constant 128 : i32
      %mul3A_32 = arith.muli %scan3A_22, %mul3A_31 : i32
      %add3A_33 = arith.addi %mul3A_2, %mul3A_32 : i32
      "tpu.region"() ({
        %run_scoped3A = tpu.sem_alloc : memref<!tpu.dma_semaphore, #tpu.memory_space<semaphore_mem>>
        %dma_start3A_34 = arith.constant 0 : i32
        %dma_start3A_35 = tpu.memref_slice %arg8[%add3A_33, %dma_start3A_34] : memref<81920x384xf32, #tpu.memory_space<hbm>> -> memref<128x384xf32, #tpu.memory_space<hbm>>
        %dma_start3A_36 = arith.constant 0 : i32
        %dma_start3A_37 = tpu.memref_slice %arg8[%add3A_33, %dma_start3A_36] : memref<81920x384xf32, #tpu.memory_space<hbm>> -> memref<128x384xf32, #tpu.memory_space<hbm>>
        tpu.enqueue_dma source(%arg14 : memref<128x384xf32, #tpu.memory_space<vmem>>) target(%dma_start3A_37 : memref<128x384xf32, #tpu.memory_space<hbm>>) target_semaphore(%run_scoped3A : memref<!tpu.dma_semaphore, #tpu.memory_space<semaphore_mem>>)
        %dma_wait3A_38 = arith.constant 0 : i32
        %dma_wait3A_39 = tpu.memref_slice %arg8[%add3A_33, %dma_wait3A_38] : memref<81920x384xf32, #tpu.memory_space<hbm>> -> memref<128x384xf32, #tpu.memory_space<hbm>>
        %dma_wait3A_40 = arith.constant 0 : i32
        %dma_wait3A_41 = tpu.memref_slice %arg8[%add3A_33, %dma_wait3A_40] : memref<81920x384xf32, #tpu.memory_space<hbm>> -> memref<128x384xf32, #tpu.memory_space<hbm>>
        tpu.wait_dma2 semaphore(%run_scoped3A : memref<!tpu.dma_semaphore, #tpu.memory_space<semaphore_mem>>) src(%arg14 : memref<128x384xf32, #tpu.memory_space<vmem>>) dst(%dma_wait3A_41 : memref<128x384xf32, #tpu.memory_space<hbm>>)
        tpu.yield
      }) : () -> ()
    }
    %scan3A_9 = arith.constant 20 : i32
    %scan3A_10 = arith.constant 0 : i32
    %scan3A_11 = arith.constant 0 : i32
    %scan3A_12 = arith.constant 20 : i32
    %scan3A_13 = arith.addi %scan3A_11, %scan3A_12 : i32
    %scan3A_14 = arith.constant 1 : i32
    scf.for %scan3A_22 = %scan3A_11 to %scan3A_13 step %scan3A_14  : i32 {
      %mul3A_23 = arith.constant 128 : i32
      %mul3A_24 = arith.muli %scan3A_22, %mul3A_23 : i32
      %dma_start3A = tpu.memref_slice %arg12[%mul3A_24] : memref<2560xi32, #tpu.memory_space<vmem>> -> memref<128xi32, #tpu.memory_space<vmem>>
      %dma_start3A_25 = arith.constant 0 : i32
      %dma_start3A_26 = arith.constant 0 : i32
      %dma_start3A_27 = tpu.memref_slice %arg3[%dma_start3A_25, %dma_start3A_26] : memref<160000x128xf32, #tpu.memory_space<hbm>> -> memref<160000x128xf32, #tpu.memory_space<hbm>>
      tpu.enqueue_indirect_dma source(%dma_start3A_27 : memref<160000x128xf32, #tpu.memory_space<hbm>>) target(%arg15 : memref<128x128xf32, #tpu.memory_space<vmem>>) offsets(%dma_start3A : memref<128xi32, #tpu.memory_space<vmem>>) semaphore(%arg17 : memref<!tpu.dma_semaphore, #tpu.memory_space<semaphore_mem>>)
      %dma_wait3A = tpu.memref_slice %arg12[%mul3A_24] : memref<2560xi32, #tpu.memory_space<vmem>> -> memref<128xi32, #tpu.memory_space<vmem>>
      %dma_wait3A_28 = arith.constant 0 : i32
      %dma_wait3A_29 = arith.constant 0 : i32
      %dma_wait3A_30 = tpu.memref_slice %arg3[%dma_wait3A_28, %dma_wait3A_29] : memref<160000x128xf32, #tpu.memory_space<hbm>> -> memref<160000x128xf32, #tpu.memory_space<hbm>>
      tpu.wait_indirect_dma semaphore(%arg17 : memref<!tpu.dma_semaphore, #tpu.memory_space<semaphore_mem>>) src(%dma_wait3A_30 : memref<160000x128xf32, #tpu.memory_space<hbm>>) dst(%arg15 : memref<128x128xf32, #tpu.memory_space<vmem>>)
      %mul3A_31 = arith.constant 128 : i32
      %mul3A_32 = arith.muli %scan3A_22, %mul3A_31 : i32
      %add3A_33 = arith.addi %mul3A_2, %mul3A_32 : i32
      "tpu.region"() ({
        %run_scoped3A = tpu.sem_alloc : memref<!tpu.dma_semaphore, #tpu.memory_space<semaphore_mem>>
        %dma_start3A_34 = arith.constant 0 : i32
        %dma_start3A_35 = tpu.memref_slice %arg9[%add3A_33, %dma_start3A_34] : memref<81920x128xf32, #tpu.memory_space<hbm>> -> memref<128x128xf32, #tpu.memory_space<hbm>>
        %dma_start3A_36 = arith.constant 0 : i32
        %dma_start3A_37 = tpu.memref_slice %arg9[%add3A_33, %dma_start3A_36] : memref<81920x128xf32, #tpu.memory_space<hbm>> -> memref<128x128xf32, #tpu.memory_space<hbm>>
        tpu.enqueue_dma source(%arg15 : memref<128x128xf32, #tpu.memory_space<vmem>>) target(%dma_start3A_37 : memref<128x128xf32, #tpu.memory_space<hbm>>) target_semaphore(%run_scoped3A : memref<!tpu.dma_semaphore, #tpu.memory_space<semaphore_mem>>)
        %dma_wait3A_38 = arith.constant 0 : i32
        %dma_wait3A_39 = tpu.memref_slice %arg9[%add3A_33, %dma_wait3A_38] : memref<81920x128xf32, #tpu.memory_space<hbm>> -> memref<128x128xf32, #tpu.memory_space<hbm>>
        %dma_wait3A_40 = arith.constant 0 : i32
        %dma_wait3A_41 = tpu.memref_slice %arg9[%add3A_33, %dma_wait3A_40] : memref<81920x128xf32, #tpu.memory_space<hbm>> -> memref<128x128xf32, #tpu.memory_space<hbm>>
        tpu.wait_dma2 semaphore(%run_scoped3A : memref<!tpu.dma_semaphore, #tpu.memory_space<semaphore_mem>>) src(%arg15 : memref<128x128xf32, #tpu.memory_space<vmem>>) dst(%dma_wait3A_41 : memref<128x128xf32, #tpu.memory_space<hbm>>)
        tpu.yield
      }) : () -> ()
    }
    %scan3A_15 = arith.constant 20 : i32
    %scan3A_16 = arith.constant 0 : i32
    %scan3A_17 = arith.constant 0 : i32
    %scan3A_18 = arith.constant 2 : i32
    %scan3A_19 = arith.addi %scan3A_17, %scan3A_18 : i32
    %scan3A_20 = arith.constant 1 : i32
    scf.for %scan3A_22 = %scan3A_17 to %scan3A_19 step %scan3A_20  : i32 {
      %mul3A_23 = arith.constant 64 : i32
      %mul3A_24 = arith.muli %scan3A_22, %mul3A_23 : i32
      %dma_start3A = tpu.memref_slice %arg13[%mul3A_24] : memref<128xi32, #tpu.memory_space<vmem>> -> memref<64xi32, #tpu.memory_space<vmem>>
      %dma_start3A_25 = arith.constant 0 : i32
      %dma_start3A_26 = arith.constant 0 : i32
      %dma_start3A_27 = tpu.memref_slice %arg4[%dma_start3A_25, %dma_start3A_26] : memref<10240x640xf32, #tpu.memory_space<hbm>> -> memref<10240x640xf32, #tpu.memory_space<hbm>>
      tpu.enqueue_indirect_dma source(%dma_start3A_27 : memref<10240x640xf32, #tpu.memory_space<hbm>>) target(%arg16 : memref<64x640xf32, #tpu.memory_space<vmem>>) offsets(%dma_start3A : memref<64xi32, #tpu.memory_space<vmem>>) semaphore(%arg17 : memref<!tpu.dma_semaphore, #tpu.memory_space<semaphore_mem>>)
      %dma_wait3A = tpu.memref_slice %arg13[%mul3A_24] : memref<128xi32, #tpu.memory_space<vmem>> -> memref<64xi32, #tpu.memory_space<vmem>>
      %dma_wait3A_28 = arith.constant 0 : i32
      %dma_wait3A_29 = arith.constant 0 : i32
      %dma_wait3A_30 = tpu.memref_slice %arg4[%dma_wait3A_28, %dma_wait3A_29] : memref<10240x640xf32, #tpu.memory_space<hbm>> -> memref<10240x640xf32, #tpu.memory_space<hbm>>
      tpu.wait_indirect_dma semaphore(%arg17 : memref<!tpu.dma_semaphore, #tpu.memory_space<semaphore_mem>>) src(%dma_wait3A_30 : memref<10240x640xf32, #tpu.memory_space<hbm>>) dst(%arg16 : memref<64x640xf32, #tpu.memory_space<vmem>>)
      %mul3A_31 = arith.constant 64 : i32
      %mul3A_32 = arith.muli %scan3A_22, %mul3A_31 : i32
      %add3A_33 = arith.addi %mul3A_4, %mul3A_32 : i32
      "tpu.region"() ({
        %run_scoped3A = tpu.sem_alloc : memref<!tpu.dma_semaphore, #tpu.memory_space<semaphore_mem>>
        %dma_start3A_34 = arith.constant 0 : i32
        %dma_start3A_35 = tpu.memref_slice %arg10[%add3A_33, %dma_start3A_34] : memref<4096x640xf32, #tpu.memory_space<hbm>> -> memref<64x640xf32, #tpu.memory_space<hbm>>
        %dma_start3A_36 = arith.constant 0 : i32
        %dma_start3A_37 = tpu.memref_slice %arg10[%add3A_33, %dma_start3A_36] : memref<4096x640xf32, #tpu.memory_space<hbm>> -> memref<64x640xf32, #tpu.memory_space<hbm>>
        tpu.enqueue_dma source(%arg16 : memref<64x640xf32, #tpu.memory_space<vmem>>) target(%dma_start3A_37 : memref<64x640xf32, #tpu.memory_space<hbm>>) target_semaphore(%run_scoped3A : memref<!tpu.dma_semaphore, #tpu.memory_space<semaphore_mem>>)
        %dma_wait3A_38 = arith.constant 0 : i32
        %dma_wait3A_39 = tpu.memref_slice %arg10[%add3A_33, %dma_wait3A_38] : memref<4096x640xf32, #tpu.memory_space<hbm>> -> memref<64x640xf32, #tpu.memory_space<hbm>>
        %dma_wait3A_40 = arith.constant 0 : i32
        %dma_wait3A_41 = tpu.memref_slice %arg10[%add3A_33, %dma_wait3A_40] : memref<4096x640xf32, #tpu.memory_space<hbm>> -> memref<64x640xf32, #tpu.memory_space<hbm>>
        tpu.wait_dma2 semaphore(%run_scoped3A : memref<!tpu.dma_semaphore, #tpu.memory_space<semaphore_mem>>) src(%arg16 : memref<64x640xf32, #tpu.memory_space<vmem>>) dst(%dma_wait3A_41 : memref<64x640xf32, #tpu.memory_space<hbm>>)
        tpu.yield
      }) : () -> ()
    }
    %scan3A_21 = arith.constant 2 : i32
    return
  }
}

module attributes {stable_mosaic.version = 14 : i64} {
  func.func @_tables_body(%arg0: i32, %arg1: memref<512x256xf32, #tpu.memory_space<vmem>>, %arg2: memref<512x256xf32, #tpu.memory_space<vmem>>, %arg3: memref<512x8xf32, #tpu.memory_space<vmem>>, %arg4: memref<8x16xf32, #tpu.memory_space<vmem>>, %arg5: memref<1x16xf32, #tpu.memory_space<vmem>>, %arg6: memref<16x12xf32, #tpu.memory_space<vmem>>, %arg7: memref<1x12xf32, #tpu.memory_space<vmem>>, %arg8: memref<256x256xf32, #tpu.memory_space<vmem>>, %arg9: memref<12x256xf32, #tpu.memory_space<vmem>>, %arg10: memref<1x256xf32, #tpu.memory_space<vmem>>, %arg11: memref<256x256xf32, #tpu.memory_space<vmem>>, %arg12: memref<1x256xf32, #tpu.memory_space<vmem>>, %arg13: memref<256x256xf32, #tpu.memory_space<vmem>>, %arg14: memref<12x256xf32, #tpu.memory_space<vmem>>, %arg15: memref<1x256xf32, #tpu.memory_space<vmem>>, %arg16: memref<256x256xf32, #tpu.memory_space<vmem>>, %arg17: memref<1x256xf32, #tpu.memory_space<vmem>>, %arg18: memref<256x384xf32, #tpu.memory_space<vmem>>, %arg19: memref<1x384xf32, #tpu.memory_space<vmem>>, %arg20: memref<256x384xf32, #tpu.memory_space<vmem>>, %arg21: memref<1x384xf32, #tpu.memory_space<vmem>>, %arg22: memref<256x384xf32, #tpu.memory_space<vmem>>, %arg23: memref<1x384xf32, #tpu.memory_space<vmem>>, %arg24: memref<512x384xf32, #tpu.memory_space<vmem>>, %arg25: memref<512x640xf32, #tpu.memory_space<vmem>>) attributes {dimension_semantics = [#tpu.dimension_semantics<arbitrary>], iteration_bounds = array<i64: 20>, scalar_prefetch = 0 : i64, scratch_operands = 0 : i64, tpu.core_type = #tpu.core_type<tc>, window_params = [{transform_indices = @transform_0, window_bounds = array<i64: 512, 256>}, {transform_indices = @transform_1, window_bounds = array<i64: 512, 256>}, {transform_indices = @transform_2, window_bounds = array<i64: 512, 8>}, {pipeline_mode = #tpu.pipeline_mode<synchronous>, transform_indices = @transform_3, window_bounds = array<i64: 8, 16>}, {pipeline_mode = #tpu.pipeline_mode<synchronous>, transform_indices = @transform_4, window_bounds = array<i64: 1, 16>}, {pipeline_mode = #tpu.pipeline_mode<synchronous>, transform_indices = @transform_5, window_bounds = array<i64: 16, 12>}, {pipeline_mode = #tpu.pipeline_mode<synchronous>, transform_indices = @transform_6, window_bounds = array<i64: 1, 12>}, {pipeline_mode = #tpu.pipeline_mode<synchronous>, transform_indices = @transform_7, window_bounds = array<i64: 256, 256>}, {pipeline_mode = #tpu.pipeline_mode<synchronous>, transform_indices = @transform_8, window_bounds = array<i64: 12, 256>}, {pipeline_mode = #tpu.pipeline_mode<synchronous>, transform_indices = @transform_9, window_bounds = array<i64: 1, 256>}, {pipeline_mode = #tpu.pipeline_mode<synchronous>, transform_indices = @transform_10, window_bounds = array<i64: 256, 256>}, {pipeline_mode = #tpu.pipeline_mode<synchronous>, transform_indices = @transform_11, window_bounds = array<i64: 1, 256>}, {pipeline_mode = #tpu.pipeline_mode<synchronous>, transform_indices = @transform_12, window_bounds = array<i64: 256, 256>}, {pipeline_mode = #tpu.pipeline_mode<synchronous>, transform_indices = @transform_13, window_bounds = array<i64: 12, 256>}, {pipeline_mode = #tpu.pipeline_mode<synchronous>, transform_indices = @transform_14, window_bounds = array<i64: 1, 256>}, {pipeline_mode = #tpu.pipeline_mode<synchronous>, transform_indices = @transform_15, window_bounds = array<i64: 256, 256>}, {pipeline_mode = #tpu.pipeline_mode<synchronous>, transform_indices = @transform_16, window_bounds = array<i64: 1, 256>}, {pipeline_mode = #tpu.pipeline_mode<synchronous>, transform_indices = @transform_17, window_bounds = array<i64: 256, 384>}, {pipeline_mode = #tpu.pipeline_mode<synchronous>, transform_indices = @transform_18, window_bounds = array<i64: 1, 384>}, {pipeline_mode = #tpu.pipeline_mode<synchronous>, transform_indices = @transform_19, window_bounds = array<i64: 256, 384>}, {pipeline_mode = #tpu.pipeline_mode<synchronous>, transform_indices = @transform_20, window_bounds = array<i64: 1, 384>}, {pipeline_mode = #tpu.pipeline_mode<synchronous>, transform_indices = @transform_21, window_bounds = array<i64: 256, 384>}, {pipeline_mode = #tpu.pipeline_mode<synchronous>, transform_indices = @transform_22, window_bounds = array<i64: 1, 384>}, {transform_indices = @transform_23, window_bounds = array<i64: 512, 384>}, {transform_indices = @transform_24, window_bounds = array<i64: 512, 640>}]} {
    %get3A = arith.constant 0 : index
    %get3A_0 = arith.constant 0 : index
    %get3A_1 = vector.load %arg1[%get3A, %get3A_0] : memref<512x256xf32, #tpu.memory_space<vmem>>, vector<512x256xf32>
    %get3A_2 = arith.constant 0 : index
    %get3A_3 = arith.constant 0 : index
    %get3A_4 = vector.load %arg2[%get3A_2, %get3A_3] : memref<512x256xf32, #tpu.memory_space<vmem>>, vector<512x256xf32>
    %add3A = arith.addf %get3A_1, %get3A_4 : vector<512x256xf32>
    %get3A_5 = arith.constant 0 : index
    %get3A_6 = arith.constant 0 : index
    %get3A_7 = vector.load %arg3[%get3A_5, %get3A_6] : memref<512x8xf32, #tpu.memory_space<vmem>>, vector<512x8xf32>
    %get3A_8 = arith.constant 0 : index
    %get3A_9 = arith.constant 0 : index
    %get3A_10 = vector.load %arg4[%get3A_8, %get3A_9] : memref<8x16xf32, #tpu.memory_space<vmem>>, vector<8x16xf32>
    %dot_general3A = arith.constant dense<0.000000e+00> : vector<512x16xf32>
    %dot_general3A_11 = tpu.matmul %get3A_7, %get3A_10, %dot_general3A {dimension_numbers = #tpu.dot_dimension_numbers<[1], [0], [0], [1], [0, 0, 1, 1], [], []>, transpose_lhs_hint = false} : vector<512x8xf32>, vector<8x16xf32>, vector<512x16xf32> -> vector<512x16xf32>
    %get3A_12 = arith.constant 0 : index
    %get3A_13 = arith.constant 0 : index
    %get3A_14 = vector.load %arg5[%get3A_12, %get3A_13] : memref<1x16xf32, #tpu.memory_space<vmem>>, vector<1x16xf32>
    %add3A_15 = vector.broadcast %get3A_14 : vector<1x16xf32> to vector<512x16xf32>
    %add3A_16 = arith.addf %dot_general3A_11, %add3A_15 : vector<512x16xf32>
    %max3A = arith.constant 0.000000e+00 : f32
    %max3A_17 = vector.broadcast %max3A : f32 to vector<512x16xf32>
    %max3A_18 = arith.maximumf %add3A_16, %max3A_17 : vector<512x16xf32>
    %get3A_19 = arith.constant 0 : index
    %get3A_20 = arith.constant 0 : index
    %get3A_21 = vector.load %arg6[%get3A_19, %get3A_20] : memref<16x12xf32, #tpu.memory_space<vmem>>, vector<16x12xf32>
    %dot_general3A_22 = arith.constant dense<0.000000e+00> : vector<512x12xf32>
    %dot_general3A_23 = tpu.matmul %max3A_18, %get3A_21, %dot_general3A_22 {dimension_numbers = #tpu.dot_dimension_numbers<[1], [0], [0], [1], [0, 0, 1, 1], [], []>, transpose_lhs_hint = false} : vector<512x16xf32>, vector<16x12xf32>, vector<512x12xf32> -> vector<512x12xf32>
    %get3A_24 = arith.constant 0 : index
    %get3A_25 = arith.constant 0 : index
    %get3A_26 = vector.load %arg7[%get3A_24, %get3A_25] : memref<1x12xf32, #tpu.memory_space<vmem>>, vector<1x12xf32>
    %add3A_27 = vector.broadcast %get3A_26 : vector<1x12xf32> to vector<512x12xf32>
    %add3A_28 = arith.addf %dot_general3A_23, %add3A_27 : vector<512x12xf32>
    %get3A_29 = arith.constant 0 : index
    %get3A_30 = arith.constant 0 : index
    %get3A_31 = vector.load %arg8[%get3A_29, %get3A_30] : memref<256x256xf32, #tpu.memory_space<vmem>>, vector<256x256xf32>
    %dot_general3A_32 = arith.constant dense<0.000000e+00> : vector<512x256xf32>
    %dot_general3A_33 = tpu.matmul %add3A, %get3A_31, %dot_general3A_32 {dimension_numbers = #tpu.dot_dimension_numbers<[1], [0], [0], [1], [0, 0, 1, 1], [], []>, transpose_lhs_hint = false} : vector<512x256xf32>, vector<256x256xf32>, vector<512x256xf32> -> vector<512x256xf32>
    %get3A_34 = arith.constant 0 : index
    %get3A_35 = arith.constant 0 : index
    %get3A_36 = vector.load %arg9[%get3A_34, %get3A_35] : memref<12x256xf32, #tpu.memory_space<vmem>>, vector<12x256xf32>
    %dot_general3A_37 = arith.constant dense<0.000000e+00> : vector<512x256xf32>
    %dot_general3A_38 = tpu.matmul %add3A_28, %get3A_36, %dot_general3A_37 {dimension_numbers = #tpu.dot_dimension_numbers<[1], [0], [0], [1], [0, 0, 1, 1], [], []>, transpose_lhs_hint = false} : vector<512x12xf32>, vector<12x256xf32>, vector<512x256xf32> -> vector<512x256xf32>
    %add3A_39 = arith.addf %dot_general3A_33, %dot_general3A_38 : vector<512x256xf32>
    %get3A_40 = arith.constant 0 : index
    %get3A_41 = arith.constant 0 : index
    %get3A_42 = vector.load %arg10[%get3A_40, %get3A_41] : memref<1x256xf32, #tpu.memory_space<vmem>>, vector<1x256xf32>
    %add3A_43 = vector.broadcast %get3A_42 : vector<1x256xf32> to vector<512x256xf32>
    %add3A_44 = arith.addf %add3A_39, %add3A_43 : vector<512x256xf32>
    %max3A_45 = arith.constant 0.000000e+00 : f32
    %max3A_46 = vector.broadcast %max3A_45 : f32 to vector<512x256xf32>
    %max3A_47 = arith.maximumf %add3A_44, %max3A_46 : vector<512x256xf32>
    %get3A_48 = arith.constant 0 : index
    %get3A_49 = arith.constant 0 : index
    %get3A_50 = vector.load %arg11[%get3A_48, %get3A_49] : memref<256x256xf32, #tpu.memory_space<vmem>>, vector<256x256xf32>
    %dot_general3A_51 = arith.constant dense<0.000000e+00> : vector<512x256xf32>
    %dot_general3A_52 = tpu.matmul %max3A_47, %get3A_50, %dot_general3A_51 {dimension_numbers = #tpu.dot_dimension_numbers<[1], [0], [0], [1], [0, 0, 1, 1], [], []>, transpose_lhs_hint = false} : vector<512x256xf32>, vector<256x256xf32>, vector<512x256xf32> -> vector<512x256xf32>
    %get3A_53 = arith.constant 0 : index
    %get3A_54 = arith.constant 0 : index
    %get3A_55 = vector.load %arg12[%get3A_53, %get3A_54] : memref<1x256xf32, #tpu.memory_space<vmem>>, vector<1x256xf32>
    %add3A_56 = vector.broadcast %get3A_55 : vector<1x256xf32> to vector<512x256xf32>
    %add3A_57 = arith.addf %dot_general3A_52, %add3A_56 : vector<512x256xf32>
    %get3A_58 = arith.constant 0 : index
    %get3A_59 = arith.constant 0 : index
    %get3A_60 = vector.load %arg13[%get3A_58, %get3A_59] : memref<256x256xf32, #tpu.memory_space<vmem>>, vector<256x256xf32>
    %dot_general3A_61 = arith.constant dense<0.000000e+00> : vector<512x256xf32>
    %dot_general3A_62 = tpu.matmul %add3A, %get3A_60, %dot_general3A_61 {dimension_numbers = #tpu.dot_dimension_numbers<[1], [0], [0], [1], [0, 0, 1, 1], [], []>, transpose_lhs_hint = false} : vector<512x256xf32>, vector<256x256xf32>, vector<512x256xf32> -> vector<512x256xf32>
    %get3A_63 = arith.constant 0 : index
    %get3A_64 = arith.constant 0 : index
    %get3A_65 = vector.load %arg14[%get3A_63, %get3A_64] : memref<12x256xf32, #tpu.memory_space<vmem>>, vector<12x256xf32>
    %dot_general3A_66 = arith.constant dense<0.000000e+00> : vector<512x256xf32>
    %dot_general3A_67 = tpu.matmul %add3A_28, %get3A_65, %dot_general3A_66 {dimension_numbers = #tpu.dot_dimension_numbers<[1], [0], [0], [1], [0, 0, 1, 1], [], []>, transpose_lhs_hint = false} : vector<512x12xf32>, vector<12x256xf32>, vector<512x256xf32> -> vector<512x256xf32>
    %add3A_68 = arith.addf %dot_general3A_62, %dot_general3A_67 : vector<512x256xf32>
    %get3A_69 = arith.constant 0 : index
    %get3A_70 = arith.constant 0 : index
    %get3A_71 = vector.load %arg15[%get3A_69, %get3A_70] : memref<1x256xf32, #tpu.memory_space<vmem>>, vector<1x256xf32>
    %add3A_72 = vector.broadcast %get3A_71 : vector<1x256xf32> to vector<512x256xf32>
    %add3A_73 = arith.addf %add3A_68, %add3A_72 : vector<512x256xf32>
    %max3A_74 = arith.constant 0.000000e+00 : f32
    %max3A_75 = vector.broadcast %max3A_74 : f32 to vector<512x256xf32>
    %max3A_76 = arith.maximumf %add3A_73, %max3A_75 : vector<512x256xf32>
    %get3A_77 = arith.constant 0 : index
    %get3A_78 = arith.constant 0 : index
    %get3A_79 = vector.load %arg16[%get3A_77, %get3A_78] : memref<256x256xf32, #tpu.memory_space<vmem>>, vector<256x256xf32>
    %dot_general3A_80 = arith.constant dense<0.000000e+00> : vector<512x256xf32>
    %dot_general3A_81 = tpu.matmul %max3A_76, %get3A_79, %dot_general3A_80 {dimension_numbers = #tpu.dot_dimension_numbers<[1], [0], [0], [1], [0, 0, 1, 1], [], []>, transpose_lhs_hint = false} : vector<512x256xf32>, vector<256x256xf32>, vector<512x256xf32> -> vector<512x256xf32>
    %get3A_82 = arith.constant 0 : index
    %get3A_83 = arith.constant 0 : index
    %get3A_84 = vector.load %arg17[%get3A_82, %get3A_83] : memref<1x256xf32, #tpu.memory_space<vmem>>, vector<1x256xf32>
    %add3A_85 = vector.broadcast %get3A_84 : vector<1x256xf32> to vector<512x256xf32>
    %add3A_86 = arith.addf %dot_general3A_81, %add3A_85 : vector<512x256xf32>
    %get3A_87 = arith.constant 0 : index
    %get3A_88 = arith.constant 0 : index
    %get3A_89 = vector.load %arg18[%get3A_87, %get3A_88] : memref<256x384xf32, #tpu.memory_space<vmem>>, vector<256x384xf32>
    %dot_general3A_90 = arith.constant dense<0.000000e+00> : vector<512x384xf32>
    %dot_general3A_91 = tpu.matmul %add3A_57, %get3A_89, %dot_general3A_90 {dimension_numbers = #tpu.dot_dimension_numbers<[1], [0], [0], [1], [0, 0, 1, 1], [], []>, transpose_lhs_hint = false} : vector<512x256xf32>, vector<256x384xf32>, vector<512x384xf32> -> vector<512x384xf32>
    %get3A_92 = arith.constant 0 : index
    %get3A_93 = arith.constant 0 : index
    %get3A_94 = vector.load %arg19[%get3A_92, %get3A_93] : memref<1x384xf32, #tpu.memory_space<vmem>>, vector<1x384xf32>
    %add3A_95 = vector.broadcast %get3A_94 : vector<1x384xf32> to vector<512x384xf32>
    %add3A_96 = arith.addf %dot_general3A_91, %add3A_95 : vector<512x384xf32>
    %swap3A = arith.constant 0 : index
    %swap3A_97 = arith.constant 0 : index
    %swap3A_98 = vector.load %arg25[%swap3A, %swap3A_97] : memref<512x640xf32, #tpu.memory_space<vmem>>, vector<512x384xf32>
    tpu.vector_store %arg25[%swap3A, %swap3A_97], %add3A_96 {strides = array<i32>} : memref<512x640xf32, #tpu.memory_space<vmem>>, vector<512x384xf32>,
    %swap3A_99 = arith.constant 0 : index
    %swap3A_100 = arith.constant 384 : index
    %swap3A_101 = vector.load %arg25[%swap3A_99, %swap3A_100] : memref<512x640xf32, #tpu.memory_space<vmem>>, vector<512x256xf32>
    tpu.vector_store %arg25[%swap3A_99, %swap3A_100], %add3A_57 {strides = array<i32>} : memref<512x640xf32, #tpu.memory_space<vmem>>, vector<512x256xf32>,
    %get3A_102 = arith.constant 0 : index
    %get3A_103 = arith.constant 0 : index
    %get3A_104 = vector.load %arg20[%get3A_102, %get3A_103] : memref<256x384xf32, #tpu.memory_space<vmem>>, vector<256x384xf32>
    %dot_general3A_105 = arith.constant dense<0.000000e+00> : vector<512x384xf32>
    %dot_general3A_106 = tpu.matmul %add3A_86, %get3A_104, %dot_general3A_105 {dimension_numbers = #tpu.dot_dimension_numbers<[1], [0], [0], [1], [0, 0, 1, 1], [], []>, transpose_lhs_hint = false} : vector<512x256xf32>, vector<256x384xf32>, vector<512x384xf32> -> vector<512x384xf32>
    %get3A_107 = arith.constant 0 : index
    %get3A_108 = arith.constant 0 : index
    %get3A_109 = vector.load %arg21[%get3A_107, %get3A_108] : memref<1x384xf32, #tpu.memory_space<vmem>>, vector<1x384xf32>
    %add3A_110 = vector.broadcast %get3A_109 : vector<1x384xf32> to vector<512x384xf32>
    %add3A_111 = arith.addf %dot_general3A_106, %add3A_110 : vector<512x384xf32>
    %convert_element_type3A = arith.truncf %add3A_111 : vector<512x384xf32> to vector<512x384xbf16>
    %convert_element_type3A_112 = arith.extf %convert_element_type3A : vector<512x384xbf16> to vector<512x384xf32>
    %get3A_113 = arith.constant 0 : index
    %get3A_114 = arith.constant 0 : index
    %get3A_115 = vector.load %arg22[%get3A_113, %get3A_114] : memref<256x384xf32, #tpu.memory_space<vmem>>, vector<256x384xf32>
    %dot_general3A_116 = arith.constant dense<0.000000e+00> : vector<512x384xf32>
    %dot_general3A_117 = tpu.matmul %add3A_86, %get3A_115, %dot_general3A_116 {dimension_numbers = #tpu.dot_dimension_numbers<[1], [0], [0], [1], [0, 0, 1, 1], [], []>, transpose_lhs_hint = false} : vector<512x256xf32>, vector<256x384xf32>, vector<512x384xf32> -> vector<512x384xf32>
    %get3A_118 = arith.constant 0 : index
    %get3A_119 = arith.constant 0 : index
    %get3A_120 = vector.load %arg23[%get3A_118, %get3A_119] : memref<1x384xf32, #tpu.memory_space<vmem>>, vector<1x384xf32>
    %add3A_121 = vector.broadcast %get3A_120 : vector<1x384xf32> to vector<512x384xf32>
    %add3A_122 = arith.addf %dot_general3A_117, %add3A_121 : vector<512x384xf32>
    %convert_element_type3A_123 = arith.truncf %add3A_122 : vector<512x384xf32> to vector<512x384xbf16>
    %convert_element_type3A_124 = arith.extf %convert_element_type3A_123 : vector<512x384xbf16> to vector<512x384xf32>
    %bitcast_convert_type3A = tpu.bitcast %convert_element_type3A_112 : vector<512x384xf32> -> vector<512x384xi32>
    %bitcast_convert_type3A_125 = tpu.bitcast %convert_element_type3A_124 : vector<512x384xf32> -> vector<512x384xi32>
    %shift_right_logical3A = arith.constant 16 : i32
    %shift_right_logical3A_126 = vector.broadcast %shift_right_logical3A : i32 to vector<512x384xi32>
    %shift_right_logical3A_127 = arith.shrui %bitcast_convert_type3A, %shift_right_logical3A_126 : vector<512x384xi32>
    %and3A = arith.constant -65536 : i32
    %and3A_128 = vector.broadcast %and3A : i32 to vector<512x384xi32>
    %and3A_129 = arith.andi %bitcast_convert_type3A_125, %and3A_128 : vector<512x384xi32>
    %or3A = arith.ori %shift_right_logical3A_127, %and3A_129 : vector<512x384xi32>
    %bitcast_convert_type3A_130 = tpu.bitcast %or3A : vector<512x384xi32> -> vector<512x384xf32>
    %swap3A_131 = arith.constant 0 : index
    %swap3A_132 = arith.constant 0 : index
    %swap3A_133 = vector.load %arg24[%swap3A_131, %swap3A_132] : memref<512x384xf32, #tpu.memory_space<vmem>>, vector<512x384xf32>
    tpu.vector_store %arg24[%swap3A_131, %swap3A_132], %bitcast_convert_type3A_130 {strides = array<i32>} : memref<512x384xf32, #tpu.memory_space<vmem>>, vector<512x384xf32>,
    return
  }
  func.func @transform_0(%arg0: i32) -> (i32, i32) {
    %c0_i32 = arith.constant 0 : i32
    %c0_i32_0 = arith.constant 0 : i32
    return %arg0, %c0_i32 : i32, i32
  }
  func.func @transform_1(%arg0: i32) -> (i32, i32) {
    %c0_i32 = arith.constant 0 : i32
    %c0_i32_0 = arith.constant 0 : i32
    return %arg0, %c0_i32 : i32, i32
  }
  func.func @transform_2(%arg0: i32) -> (i32, i32) {
    %c0_i32 = arith.constant 0 : i32
    %c0_i32_0 = arith.constant 0 : i32
    return %arg0, %c0_i32 : i32, i32
  }
  func.func @transform_3(%arg0: i32) -> (i32, i32) {
    %c0_i32 = arith.constant 0 : i32
    %c0_i32_0 = arith.constant 0 : i32
    %c0_i32_1 = arith.constant 0 : i32
    return %c0_i32, %c0_i32_0 : i32, i32
  }
  func.func @transform_4(%arg0: i32) -> (i32, i32) {
    %c0_i32 = arith.constant 0 : i32
    %c0_i32_0 = arith.constant 0 : i32
    %c0_i32_1 = arith.constant 0 : i32
    return %c0_i32, %c0_i32_0 : i32, i32
  }
  func.func @transform_5(%arg0: i32) -> (i32, i32) {
    %c0_i32 = arith.constant 0 : i32
    %c0_i32_0 = arith.constant 0 : i32
    %c0_i32_1 = arith.constant 0 : i32
    return %c0_i32, %c0_i32_0 : i32, i32
  }
  func.func @transform_6(%arg0: i32) -> (i32, i32) {
    %c0_i32 = arith.constant 0 : i32
    %c0_i32_0 = arith.constant 0 : i32
    %c0_i32_1 = arith.constant 0 : i32
    return %c0_i32, %c0_i32_0 : i32, i32
  }
  func.func @transform_7(%arg0: i32) -> (i32, i32) {
    %c0_i32 = arith.constant 0 : i32
    %c0_i32_0 = arith.constant 0 : i32
    %c0_i32_1 = arith.constant 0 : i32
    return %c0_i32, %c0_i32_0 : i32, i32
  }
  func.func @transform_8(%arg0: i32) -> (i32, i32) {
    %c0_i32 = arith.constant 0 : i32
    %c0_i32_0 = arith.constant 0 : i32
    %c0_i32_1 = arith.constant 0 : i32
    return %c0_i32, %c0_i32_0 : i32, i32
  }
  func.func @transform_9(%arg0: i32) -> (i32, i32) {
    %c0_i32 = arith.constant 0 : i32
    %c0_i32_0 = arith.constant 0 : i32
    %c0_i32_1 = arith.constant 0 : i32
    return %c0_i32, %c0_i32_0 : i32, i32
  }
  func.func @transform_10(%arg0: i32) -> (i32, i32) {
    %c0_i32 = arith.constant 0 : i32
    %c0_i32_0 = arith.constant 0 : i32
    %c0_i32_1 = arith.constant 0 : i32
    return %c0_i32, %c0_i32_0 : i32, i32
  }
  func.func @transform_11(%arg0: i32) -> (i32, i32) {
    %c0_i32 = arith.constant 0 : i32
    %c0_i32_0 = arith.constant 0 : i32
    %c0_i32_1 = arith.constant 0 : i32
    return %c0_i32, %c0_i32_0 : i32, i32
  }
  func.func @transform_12(%arg0: i32) -> (i32, i32) {
    %c0_i32 = arith.constant 0 : i32
    %c0_i32_0 = arith.constant 0 : i32
    %c0_i32_1 = arith.constant 0 : i32
    return %c0_i32, %c0_i32_0 : i32, i32
  }
  func.func @transform_13(%arg0: i32) -> (i32, i32) {
    %c0_i32 = arith.constant 0 : i32
    %c0_i32_0 = arith.constant 0 : i32
    %c0_i32_1 = arith.constant 0 : i32
    return %c0_i32, %c0_i32_0 : i32, i32
  }
  func.func @transform_14(%arg0: i32) -> (i32, i32) {
    %c0_i32 = arith.constant 0 : i32
    %c0_i32_0 = arith.constant 0 : i32
    %c0_i32_1 = arith.constant 0 : i32
    return %c0_i32, %c0_i32_0 : i32, i32
  }
  func.func @transform_15(%arg0: i32) -> (i32, i32) {
    %c0_i32 = arith.constant 0 : i32
    %c0_i32_0 = arith.constant 0 : i32
    %c0_i32_1 = arith.constant 0 : i32
    return %c0_i32, %c0_i32_0 : i32, i32
  }
  func.func @transform_16(%arg0: i32) -> (i32, i32) {
    %c0_i32 = arith.constant 0 : i32
    %c0_i32_0 = arith.constant 0 : i32
    %c0_i32_1 = arith.constant 0 : i32
    return %c0_i32, %c0_i32_0 : i32, i32
  }
  func.func @transform_17(%arg0: i32) -> (i32, i32) {
    %c0_i32 = arith.constant 0 : i32
    %c0_i32_0 = arith.constant 0 : i32
    %c0_i32_1 = arith.constant 0 : i32
    return %c0_i32, %c0_i32_0 : i32, i32
  }
  func.func @transform_18(%arg0: i32) -> (i32, i32) {
    %c0_i32 = arith.constant 0 : i32
    %c0_i32_0 = arith.constant 0 : i32
    %c0_i32_1 = arith.constant 0 : i32
    return %c0_i32, %c0_i32_0 : i32, i32
  }
  func.func @transform_19(%arg0: i32) -> (i32, i32) {
    %c0_i32 = arith.constant 0 : i32
    %c0_i32_0 = arith.constant 0 : i32
    %c0_i32_1 = arith.constant 0 : i32
    return %c0_i32, %c0_i32_0 : i32, i32
  }
  func.func @transform_20(%arg0: i32) -> (i32, i32) {
    %c0_i32 = arith.constant 0 : i32
    %c0_i32_0 = arith.constant 0 : i32
    %c0_i32_1 = arith.constant 0 : i32
    return %c0_i32, %c0_i32_0 : i32, i32
  }
  func.func @transform_21(%arg0: i32) -> (i32, i32) {
    %c0_i32 = arith.constant 0 : i32
    %c0_i32_0 = arith.constant 0 : i32
    %c0_i32_1 = arith.constant 0 : i32
    return %c0_i32, %c0_i32_0 : i32, i32
  }
  func.func @transform_22(%arg0: i32) -> (i32, i32) {
    %c0_i32 = arith.constant 0 : i32
    %c0_i32_0 = arith.constant 0 : i32
    %c0_i32_1 = arith.constant 0 : i32
    return %c0_i32, %c0_i32_0 : i32, i32
  }
  func.func @transform_23(%arg0: i32) -> (i32, i32) {
    %c0_i32 = arith.constant 0 : i32
    %c0_i32_0 = arith.constant 0 : i32
    return %arg0, %c0_i32 : i32, i32
  }
  func.func @transform_24(%arg0: i32) -> (i32, i32) {
    %c0_i32 = arith.constant 0 : i32
    %c0_i32_0 = arith.constant 0 : i32
    return %arg0, %c0_i32 : i32, i32
  }
}

module attributes {stable_mosaic.version = 14 : i64} {
  func.func @_attn_body(%arg0: i32, %arg1: memref<128x640xf32, #tpu.memory_space<vmem>>, %arg2: memref<2560x384xf32, #tpu.memory_space<vmem>>, %arg3: memref<2560x128xf32, #tpu.memory_space<vmem>>, %arg4: memref<2560x1xf32, #tpu.memory_space<vmem>>, %arg5: memref<128x20xi32, #tpu.memory_space<vmem>>, %arg6: memref<1x100xf32, #tpu.memory_space<vmem>>, %arg7: memref<1x100xf32, #tpu.memory_space<vmem>>, %arg8: memref<100x384xbf16, #tpu.memory_space<vmem>>, %arg9: memref<100x384xbf16, #tpu.memory_space<vmem>>, %arg10: memref<16x384xbf16, #tpu.memory_space<vmem>>, %arg11: memref<16x384xbf16, #tpu.memory_space<vmem>>, %arg12: memref<384x384xf32, #tpu.memory_space<vmem>>, %arg13: memref<1x384xf32, #tpu.memory_space<vmem>>, %arg14: memref<384x256xf32, #tpu.memory_space<vmem>>, %arg15: memref<256x256xf32, #tpu.memory_space<vmem>>, %arg16: memref<1x256xf32, #tpu.memory_space<vmem>>, %arg17: memref<256x256xf32, #tpu.memory_space<vmem>>, %arg18: memref<1x256xf32, #tpu.memory_space<vmem>>, %arg19: memref<128x256xf32, #tpu.memory_space<vmem>>) attributes {dimension_semantics = [#tpu.dimension_semantics<arbitrary>], iteration_bounds = array<i64: 32>, scalar_prefetch = 0 : i64, scratch_operands = 0 : i64, tpu.core_type = #tpu.core_type<tc>, window_params = [{transform_indices = @transform_0, window_bounds = array<i64: 128, 640>}, {transform_indices = @transform_1, window_bounds = array<i64: 2560, 384>}, {transform_indices = @transform_2, window_bounds = array<i64: 2560, 128>}, {transform_indices = @transform_3, window_bounds = array<i64: 2560, 1>}, {transform_indices = @transform_4, window_bounds = array<i64: 128, 20>}, {pipeline_mode = #tpu.pipeline_mode<synchronous>, transform_indices = @transform_5, window_bounds = array<i64: 1, 100>}, {pipeline_mode = #tpu.pipeline_mode<synchronous>, transform_indices = @transform_6, window_bounds = array<i64: 1, 100>}, {pipeline_mode = #tpu.pipeline_mode<synchronous>, transform_indices = @transform_7, window_bounds = array<i64: 100, 384>}, {pipeline_mode = #tpu.pipeline_mode<synchronous>, transform_indices = @transform_8, window_bounds = array<i64: 100, 384>}, {pipeline_mode = #tpu.pipeline_mode<synchronous>, transform_indices = @transform_9, window_bounds = array<i64: 16, 384>}, {pipeline_mode = #tpu.pipeline_mode<synchronous>, transform_indices = @transform_10, window_bounds = array<i64: 16, 384>}, {pipeline_mode = #tpu.pipeline_mode<synchronous>, transform_indices = @transform_11, window_bounds = array<i64: 384, 384>}, {pipeline_mode = #tpu.pipeline_mode<synchronous>, transform_indices = @transform_12, window_bounds = array<i64: 1, 384>}, {pipeline_mode = #tpu.pipeline_mode<synchronous>, transform_indices = @transform_13, window_bounds = array<i64: 384, 256>}, {pipeline_mode = #tpu.pipeline_mode<synchronous>, transform_indices = @transform_14, window_bounds = array<i64: 256, 256>}, {pipeline_mode = #tpu.pipeline_mode<synchronous>, transform_indices = @transform_15, window_bounds = array<i64: 1, 256>}, {pipeline_mode = #tpu.pipeline_mode<synchronous>, transform_indices = @transform_16, window_bounds = array<i64: 256, 256>}, {pipeline_mode = #tpu.pipeline_mode<synchronous>, transform_indices = @transform_17, window_bounds = array<i64: 1, 256>}, {transform_indices = @transform_18, window_bounds = array<i64: 128, 256>}]} {
    %get3A = arith.constant 0 : index
    %get3A_0 = arith.constant 0 : index
    %get3A_1 = vector.load %arg4[%get3A, %get3A_0] : memref<2560x1xf32, #tpu.memory_space<vmem>>, vector<2560x1xf32>
    %get3A_2 = arith.constant 0 : index
    %get3A_3 = arith.constant 0 : index
    %get3A_4 = vector.load %arg6[%get3A_2, %get3A_3] : memref<1x100xf32, #tpu.memory_space<vmem>>, vector<1x100xf32>
    %mul3A = vector.broadcast %get3A_1 : vector<2560x1xf32> to vector<2560x100xf32>
    %mul3A_5 = vector.broadcast %get3A_4 : vector<1x100xf32> to vector<2560x100xf32>
    %mul3A_6 = arith.mulf %mul3A, %mul3A_5 : vector<2560x100xf32>
    %get3A_7 = arith.constant 0 : index
    %get3A_8 = arith.constant 0 : index
    %get3A_9 = vector.load %arg7[%get3A_7, %get3A_8] : memref<1x100xf32, #tpu.memory_space<vmem>>, vector<1x100xf32>
    %add3A = vector.broadcast %get3A_9 : vector<1x100xf32> to vector<2560x100xf32>
    %add3A_10 = arith.addf %mul3A_6, %add3A : vector<2560x100xf32>
    %cos3A = math.cos %add3A_10 : vector<2560x100xf32>
    %convert_element_type3A = arith.truncf %cos3A : vector<2560x100xf32> to vector<2560x100xbf16>
    %get3A_11 = arith.constant 0 : index
    %get3A_12 = arith.constant 0 : index
    %get3A_13 = vector.load %arg2[%get3A_11, %get3A_12] : memref<2560x384xf32, #tpu.memory_space<vmem>>, vector<2560x384xf32>
    %bitcast_convert_type3A = tpu.bitcast %get3A_13 : vector<2560x384xf32> -> vector<2560x384xi32>
    %get3A_14 = arith.constant 0 : index
    %get3A_15 = arith.constant 0 : index
    %get3A_16 = vector.load %arg3[%get3A_14, %get3A_15] : memref<2560x128xf32, #tpu.memory_space<vmem>>, vector<2560x16xf32>
    %convert_element_type3A_17 = arith.truncf %get3A_16 : vector<2560x16xf32> to vector<2560x16xbf16>
    %shift_left3A = arith.constant 16 : i32
    %shift_left3A_18 = vector.broadcast %shift_left3A : i32 to vector<2560x384xi32>
    %shift_left3A_19 = arith.shli %bitcast_convert_type3A, %shift_left3A_18 : vector<2560x384xi32>
    %bitcast_convert_type3A_20 = tpu.bitcast %shift_left3A_19 : vector<2560x384xi32> -> vector<2560x384xf32>
    %get3A_21 = arith.constant 0 : index
    %get3A_22 = arith.constant 0 : index
    %get3A_23 = vector.load %arg8[%get3A_21, %get3A_22] : memref<100x384xbf16, #tpu.memory_space<vmem>>, vector<100x384xbf16>
    %dot_general3A = arith.constant dense<0.000000e+00> : vector<2560x384xf32>
    %dot_general3A_24 = tpu.matmul %convert_element_type3A, %get3A_23, %dot_general3A {dimension_numbers = #tpu.dot_dimension_numbers<[1], [0], [0], [1], [0, 0, 1, 1], [], []>, transpose_lhs_hint = false} : vector<2560x100xbf16>, vector<100x384xbf16>, vector<2560x384xf32> -> vector<2560x384xf32>
    %add3A_25 = arith.addf %bitcast_convert_type3A_20, %dot_general3A_24 : vector<2560x384xf32>
    %get3A_26 = arith.constant 0 : index
    %get3A_27 = arith.constant 0 : index
    %get3A_28 = vector.load %arg10[%get3A_26, %get3A_27] : memref<16x384xbf16, #tpu.memory_space<vmem>>, vector<16x384xbf16>
    %dot_general3A_29 = arith.constant dense<0.000000e+00> : vector<2560x384xf32>
    %dot_general3A_30 = tpu.matmul %convert_element_type3A_17, %get3A_28, %dot_general3A_29 {dimension_numbers = #tpu.dot_dimension_numbers<[1], [0], [0], [1], [0, 0, 1, 1], [], []>, transpose_lhs_hint = false} : vector<2560x16xbf16>, vector<16x384xbf16>, vector<2560x384xf32> -> vector<2560x384xf32>
    %add3A_31 = arith.addf %add3A_25, %dot_general3A_30 : vector<2560x384xf32>
    %and3A = arith.constant -65536 : i32
    %and3A_32 = vector.broadcast %and3A : i32 to vector<2560x384xi32>
    %and3A_33 = arith.andi %bitcast_convert_type3A, %and3A_32 : vector<2560x384xi32>
    %bitcast_convert_type3A_34 = tpu.bitcast %and3A_33 : vector<2560x384xi32> -> vector<2560x384xf32>
    %get3A_35 = arith.constant 0 : index
    %get3A_36 = arith.constant 0 : index
    %get3A_37 = vector.load %arg9[%get3A_35, %get3A_36] : memref<100x384xbf16, #tpu.memory_space<vmem>>, vector<100x384xbf16>
    %dot_general3A_38 = arith.constant dense<0.000000e+00> : vector<2560x384xf32>
    %dot_general3A_39 = tpu.matmul %convert_element_type3A, %get3A_37, %dot_general3A_38 {dimension_numbers = #tpu.dot_dimension_numbers<[1], [0], [0], [1], [0, 0, 1, 1], [], []>, transpose_lhs_hint = false} : vector<2560x100xbf16>, vector<100x384xbf16>, vector<2560x384xf32> -> vector<2560x384xf32>
    %add3A_40 = arith.addf %bitcast_convert_type3A_34, %dot_general3A_39 : vector<2560x384xf32>
    %get3A_41 = arith.constant 0 : index
    %get3A_42 = arith.constant 0 : index
    %get3A_43 = vector.load %arg11[%get3A_41, %get3A_42] : memref<16x384xbf16, #tpu.memory_space<vmem>>, vector<16x384xbf16>
    %dot_general3A_44 = arith.constant dense<0.000000e+00> : vector<2560x384xf32>
    %dot_general3A_45 = tpu.matmul %convert_element_type3A_17, %get3A_43, %dot_general3A_44 {dimension_numbers = #tpu.dot_dimension_numbers<[1], [0], [0], [1], [0, 0, 1, 1], [], []>, transpose_lhs_hint = false} : vector<2560x16xbf16>, vector<16x384xbf16>, vector<2560x384xf32> -> vector<2560x384xf32>
    %add3A_46 = arith.addf %add3A_40, %dot_general3A_45 : vector<2560x384xf32>
    %reshape3A = vector.shape_cast %add3A_31 : vector<2560x384xf32> to vector<128x20x384xf32>
    %reshape3A_47 = vector.shape_cast %add3A_46 : vector<2560x384xf32> to vector<128x20x384xf32>
    %get3A_48 = arith.constant 0 : index
    %get3A_49 = arith.constant 0 : index
    %get3A_50 = vector.load %arg1[%get3A_48, %get3A_49] : memref<128x640xf32, #tpu.memory_space<vmem>>, vector<128x384xf32>
    %get3A_51 = arith.constant 0 : index
    %get3A_52 = arith.constant 384 : index
    %get3A_53 = vector.load %arg1[%get3A_51, %get3A_52] : memref<128x640xf32, #tpu.memory_space<vmem>>, vector<128x256xf32>
    %broadcast_in_dim3A = vector.shape_cast %get3A_50 : vector<128x384xf32> to vector<128x1x384xf32>
    %mul3A_54 = vector.broadcast %broadcast_in_dim3A : vector<128x1x384xf32> to vector<128x20x384xf32>
    %mul3A_55 = arith.mulf %mul3A_54, %reshape3A : vector<128x20x384xf32>
    %slice3A = vector.extract_strided_slice %mul3A_55 {offsets = [0, 0, 0], sizes = [128, 20, 192], strides = [1, 1, 1]} : vector<128x20x384xf32> to vector<128x20x192xf32>
    %reduce_sum3A = arith.constant dense<0.000000e+00> : vector<128x20xf32>
    %reduce_sum3A_56 = vector.multi_reduction <add>, %slice3A, %reduce_sum3A [2] : vector<128x20x192xf32> to vector<128x20xf32>
    %mul3A_57 = arith.constant 0.0749531686 : f32
    %mul3A_58 = vector.broadcast %mul3A_57 : f32 to vector<128x20xf32>
    %mul3A_59 = arith.mulf %reduce_sum3A_56, %mul3A_58 : vector<128x20xf32>
    %slice3A_60 = vector.extract_strided_slice %mul3A_55 {offsets = [0, 0, 192], sizes = [128, 20, 192], strides = [1, 1, 1]} : vector<128x20x384xf32> to vector<128x20x192xf32>
    %reduce_sum3A_61 = arith.constant dense<0.000000e+00> : vector<128x20xf32>
    %reduce_sum3A_62 = vector.multi_reduction <add>, %slice3A_60, %reduce_sum3A_61 [2] : vector<128x20x192xf32> to vector<128x20xf32>
    %mul3A_63 = arith.constant 0.0749531686 : f32
    %mul3A_64 = vector.broadcast %mul3A_63 : f32 to vector<128x20xf32>
    %mul3A_65 = arith.mulf %reduce_sum3A_62, %mul3A_64 : vector<128x20xf32>
    %get3A_66 = arith.constant 0 : index
    %get3A_67 = arith.constant 0 : index
    %get3A_68 = vector.load %arg5[%get3A_66, %get3A_67] : memref<128x20xi32, #tpu.memory_space<vmem>>, vector<128x20xi32>
    %eq3A = arith.constant 0 : i32
    %eq3A_69 = vector.broadcast %eq3A : i32 to vector<128x20xi32>
    %eq3A_70 = arith.cmpi eq, %get3A_68, %eq3A_69 : vector<128x20xi32>
    %reduce_and3A = arith.constant 1.000000e+00 : f32
    %reduce_and3A_71 = arith.constant 0.000000e+00 : f32
    %reduce_and3A_72 = vector.broadcast %reduce_and3A : f32 to vector<128x20xf32>
    %reduce_and3A_73 = vector.broadcast %reduce_and3A_71 : f32 to vector<128x20xf32>
    %reduce_and3A_74 = arith.select %eq3A_70, %reduce_and3A_72, %reduce_and3A_73 : vector<128x20xi1>, vector<128x20xf32>
    %reduce_and3A_75 = arith.constant dense<0x7F800000> : vector<128xf32>
    %reduce_and3A_76 = vector.multi_reduction <minimumf>, %reduce_and3A_74, %reduce_and3A_75 [1] : vector<128x20xf32> to vector<128xf32>
    %reduce_and3A_77 = arith.constant 0.000000e+00 : f32
    %reduce_and3A_78 = vector.broadcast %reduce_and3A_77 : f32 to vector<128xf32>
    %reduce_and3A_79 = arith.cmpf ogt, %reduce_and3A_76, %reduce_and3A_78 : vector<128xf32>
    %broadcast_in_dim3A_80 = vector.shape_cast %reduce_and3A_79 : vector<128xi1> to vector<128x1xi1>
    %iota3A = tpu.iota {dimensions = array<i32: 1>} : vector<128x20xi32>
    %eq3A_81 = arith.constant 0 : i32
    %eq3A_82 = vector.broadcast %eq3A_81 : i32 to vector<128x20xi32>
    %eq3A_83 = arith.cmpi eq, %iota3A, %eq3A_82 : vector<128x20xi32>
    %and3A_84 = vector.broadcast %broadcast_in_dim3A_80 : vector<128x1xi1> to vector<128x20xi1>
    %and3A_85 = arith.andi %and3A_84, %eq3A_83 : vector<128x20xi1>
    %not3A = arith.constant dense<true> : vector<128x20xi1>
    %not3A_86 = arith.xori %and3A_85, %not3A : vector<128x20xi1>
    %and3A_87 = arith.andi %eq3A_70, %not3A_86 : vector<128x20xi1>
    %jit3A = arith.constant -1.000000e+30 : f32
    %broadcast_in_dim3A_88 = vector.broadcast %jit3A : f32 to vector<128x20xf32>
    %select_n3A = arith.select %and3A_87, %broadcast_in_dim3A_88, %mul3A_59 : vector<128x20xi1>, vector<128x20xf32>
    %jit3A_89 = arith.constant -1.000000e+30 : f32
    %broadcast_in_dim3A_90 = vector.broadcast %jit3A_89 : f32 to vector<128x20xf32>
    %select_n3A_91 = arith.select %and3A_87, %broadcast_in_dim3A_90, %mul3A_65 : vector<128x20xi1>, vector<128x20xf32>
    %reduce_max3A = arith.constant dense<0xFF800000> : vector<128xf32>
    %reduce_max3A_92 = vector.multi_reduction <maximumf>, %select_n3A, %reduce_max3A [1] : vector<128x20xf32> to vector<128xf32>
    %broadcast_in_dim3A_93 = vector.shape_cast %reduce_max3A_92 : vector<128xf32> to vector<128x1xf32>
    %sub3A = vector.broadcast %broadcast_in_dim3A_93 : vector<128x1xf32> to vector<128x20xf32>
    %sub3A_94 = arith.subf %select_n3A, %sub3A : vector<128x20xf32>
    %exp3A = math.exp %sub3A_94 : vector<128x20xf32>
    %reduce_sum3A_95 = arith.constant dense<0.000000e+00> : vector<128xf32>
    %reduce_sum3A_96 = vector.multi_reduction <add>, %exp3A, %reduce_sum3A_95 [1] : vector<128x20xf32> to vector<128xf32>
    %broadcast_in_dim3A_97 = vector.shape_cast %reduce_sum3A_96 : vector<128xf32> to vector<128x1xf32>
    %div3A = vector.broadcast %broadcast_in_dim3A_97 : vector<128x1xf32> to vector<128x20xf32>
    %div3A_98 = arith.divf %exp3A, %div3A : vector<128x20xf32>
    %reduce_max3A_99 = arith.constant dense<0xFF800000> : vector<128xf32>
    %reduce_max3A_100 = vector.multi_reduction <maximumf>, %select_n3A_91, %reduce_max3A_99 [1] : vector<128x20xf32> to vector<128xf32>
    %broadcast_in_dim3A_101 = vector.shape_cast %reduce_max3A_100 : vector<128xf32> to vector<128x1xf32>
    %sub3A_102 = vector.broadcast %broadcast_in_dim3A_101 : vector<128x1xf32> to vector<128x20xf32>
    %sub3A_103 = arith.subf %select_n3A_91, %sub3A_102 : vector<128x20xf32>
    %exp3A_104 = math.exp %sub3A_103 : vector<128x20xf32>
    %reduce_sum3A_105 = arith.constant dense<0.000000e+00> : vector<128xf32>
    %reduce_sum3A_106 = vector.multi_reduction <add>, %exp3A_104, %reduce_sum3A_105 [1] : vector<128x20xf32> to vector<128xf32>
    %broadcast_in_dim3A_107 = vector.shape_cast %reduce_sum3A_106 : vector<128xf32> to vector<128x1xf32>
    %div3A_108 = vector.broadcast %broadcast_in_dim3A_107 : vector<128x1xf32> to vector<128x20xf32>
    %div3A_109 = arith.divf %exp3A_104, %div3A_108 : vector<128x20xf32>
    %broadcast_in_dim3A_110 = vector.shape_cast %div3A_98 : vector<128x20xf32> to vector<128x20x1xf32>
    %slice3A_111 = vector.extract_strided_slice %reshape3A_47 {offsets = [0, 0, 0], sizes = [128, 20, 192], strides = [1, 1, 1]} : vector<128x20x384xf32> to vector<128x20x192xf32>
    %mul3A_112 = vector.broadcast %broadcast_in_dim3A_110 : vector<128x20x1xf32> to vector<128x20x192xf32>
    %mul3A_113 = arith.mulf %mul3A_112, %slice3A_111 : vector<128x20x192xf32>
    %reduce_sum3A_114 = arith.constant dense<0.000000e+00> : vector<128x192xf32>
    %reduce_sum3A_115 = vector.multi_reduction <add>, %mul3A_113, %reduce_sum3A_114 [1] : vector<128x20x192xf32> to vector<128x192xf32>
    %broadcast_in_dim3A_116 = vector.shape_cast %div3A_109 : vector<128x20xf32> to vector<128x20x1xf32>
    %slice3A_117 = vector.extract_strided_slice %reshape3A_47 {offsets = [0, 0, 192], sizes = [128, 20, 192], strides = [1, 1, 1]} : vector<128x20x384xf32> to vector<128x20x192xf32>
    %mul3A_118 = vector.broadcast %broadcast_in_dim3A_116 : vector<128x20x1xf32> to vector<128x20x192xf32>
    %mul3A_119 = arith.mulf %mul3A_118, %slice3A_117 : vector<128x20x192xf32>
    %reduce_sum3A_120 = arith.constant dense<0.000000e+00> : vector<128x192xf32>
    %reduce_sum3A_121 = vector.multi_reduction <add>, %mul3A_119, %reduce_sum3A_120 [1] : vector<128x20x192xf32> to vector<128x192xf32>
    %concatenate3A = tpu.concatenate %reduce_sum3A_115, %reduce_sum3A_121 in 1 : vector<128x192xf32>, vector<128x192xf32> -> vector<128x384xf32>
    %get3A_122 = arith.constant 0 : index
    %get3A_123 = arith.constant 0 : index
    %get3A_124 = vector.load %arg12[%get3A_122, %get3A_123] : memref<384x384xf32, #tpu.memory_space<vmem>>, vector<384x384xf32>
    %dot_general3A_125 = arith.constant dense<0.000000e+00> : vector<128x384xf32>
    %dot_general3A_126 = tpu.matmul %concatenate3A, %get3A_124, %dot_general3A_125 {dimension_numbers = #tpu.dot_dimension_numbers<[1], [0], [0], [1], [0, 0, 1, 1], [], []>, transpose_lhs_hint = false} : vector<128x384xf32>, vector<384x384xf32>, vector<128x384xf32> -> vector<128x384xf32>
    %get3A_127 = arith.constant 0 : index
    %get3A_128 = arith.constant 0 : index
    %get3A_129 = vector.load %arg13[%get3A_127, %get3A_128] : memref<1x384xf32, #tpu.memory_space<vmem>>, vector<1x384xf32>
    %add3A_130 = vector.broadcast %get3A_129 : vector<1x384xf32> to vector<128x384xf32>
    %add3A_131 = arith.addf %dot_general3A_126, %add3A_130 : vector<128x384xf32>
    %jit3A_132 = arith.constant 0.000000e+00 : f32
    %broadcast_in_dim3A_133 = vector.shape_cast %broadcast_in_dim3A_80 : vector<128x1xi1> to vector<128x1xi1>
    %broadcast_in_dim3A_134 = vector.broadcast %broadcast_in_dim3A_133 : vector<128x1xi1> to vector<128x384xi1>
    %broadcast_in_dim3A_135 = vector.broadcast %jit3A_132 : f32 to vector<128x384xf32>
    %select_n3A_136 = arith.select %broadcast_in_dim3A_134, %broadcast_in_dim3A_135, %add3A_131 : vector<128x384xi1>, vector<128x384xf32>
    %get3A_137 = arith.constant 0 : index
    %get3A_138 = arith.constant 0 : index
    %get3A_139 = vector.load %arg14[%get3A_137, %get3A_138] : memref<384x256xf32, #tpu.memory_space<vmem>>, vector<384x256xf32>
    %dot_general3A_140 = arith.constant dense<0.000000e+00> : vector<128x256xf32>
    %dot_general3A_141 = tpu.matmul %select_n3A_136, %get3A_139, %dot_general3A_140 {dimension_numbers = #tpu.dot_dimension_numbers<[1], [0], [0], [1], [0, 0, 1, 1], [], []>, transpose_lhs_hint = false} : vector<128x384xf32>, vector<384x256xf32>, vector<128x256xf32> -> vector<128x256xf32>
    %get3A_142 = arith.constant 0 : index
    %get3A_143 = arith.constant 0 : index
    %get3A_144 = vector.load %arg15[%get3A_142, %get3A_143] : memref<256x256xf32, #tpu.memory_space<vmem>>, vector<256x256xf32>
    %dot_general3A_145 = arith.constant dense<0.000000e+00> : vector<128x256xf32>
    %dot_general3A_146 = tpu.matmul %get3A_53, %get3A_144, %dot_general3A_145 {dimension_numbers = #tpu.dot_dimension_numbers<[1], [0], [0], [1], [0, 0, 1, 1], [], []>, transpose_lhs_hint = false} : vector<128x256xf32>, vector<256x256xf32>, vector<128x256xf32> -> vector<128x256xf32>
    %add3A_147 = arith.addf %dot_general3A_141, %dot_general3A_146 : vector<128x256xf32>
    %get3A_148 = arith.constant 0 : index
    %get3A_149 = arith.constant 0 : index
    %get3A_150 = vector.load %arg16[%get3A_148, %get3A_149] : memref<1x256xf32, #tpu.memory_space<vmem>>, vector<1x256xf32>
    %add3A_151 = vector.broadcast %get3A_150 : vector<1x256xf32> to vector<128x256xf32>
    %add3A_152 = arith.addf %add3A_147, %add3A_151 : vector<128x256xf32>
    %max3A = arith.constant 0.000000e+00 : f32
    %max3A_153 = vector.broadcast %max3A : f32 to vector<128x256xf32>
    %max3A_154 = arith.maximumf %add3A_152, %max3A_153 : vector<128x256xf32>
    %get3A_155 = arith.constant 0 : index
    %get3A_156 = arith.constant 0 : index
    %get3A_157 = vector.load %arg17[%get3A_155, %get3A_156] : memref<256x256xf32, #tpu.memory_space<vmem>>, vector<256x256xf32>
    %dot_general3A_158 = arith.constant dense<0.000000e+00> : vector<128x256xf32>
    %dot_general3A_159 = tpu.matmul %max3A_154, %get3A_157, %dot_general3A_158 {dimension_numbers = #tpu.dot_dimension_numbers<[1], [0], [0], [1], [0, 0, 1, 1], [], []>, transpose_lhs_hint = false} : vector<128x256xf32>, vector<256x256xf32>, vector<128x256xf32> -> vector<128x256xf32>
    %get3A_160 = arith.constant 0 : index
    %get3A_161 = arith.constant 0 : index
    %get3A_162 = vector.load %arg18[%get3A_160, %get3A_161] : memref<1x256xf32, #tpu.memory_space<vmem>>, vector<1x256xf32>
    %add3A_163 = vector.broadcast %get3A_162 : vector<1x256xf32> to vector<128x256xf32>
    %add3A_164 = arith.addf %dot_general3A_159, %add3A_163 : vector<128x256xf32>
    %swap3A = arith.constant 0 : index
    %swap3A_165 = arith.constant 0 : index
    %swap3A_166 = vector.load %arg19[%swap3A, %swap3A_165] : memref<128x256xf32, #tpu.memory_space<vmem>>, vector<128x256xf32>
    tpu.vector_store %arg19[%swap3A, %swap3A_165], %add3A_164 {strides = array<i32>} : memref<128x256xf32, #tpu.memory_space<vmem>>, vector<128x256xf32>,
    return
  }
  func.func @transform_0(%arg0: i32) -> (i32, i32) {
    %c0_i32 = arith.constant 0 : i32
    %c0_i32_0 = arith.constant 0 : i32
    return %arg0, %c0_i32 : i32, i32
  }
  func.func @transform_1(%arg0: i32) -> (i32, i32) {
    %c0_i32 = arith.constant 0 : i32
    %c0_i32_0 = arith.constant 0 : i32
    return %arg0, %c0_i32 : i32, i32
  }
  func.func @transform_2(%arg0: i32) -> (i32, i32) {
    %c0_i32 = arith.constant 0 : i32
    %c0_i32_0 = arith.constant 0 : i32
    return %arg0, %c0_i32 : i32, i32
  }
  func.func @transform_3(%arg0: i32) -> (i32, i32) {
    %c0_i32 = arith.constant 0 : i32
    %c0_i32_0 = arith.constant 0 : i32
    return %arg0, %c0_i32 : i32, i32
  }
  func.func @transform_4(%arg0: i32) -> (i32, i32) {
    %c0_i32 = arith.constant 0 : i32
    %c0_i32_0 = arith.constant 0 : i32
    return %arg0, %c0_i32 : i32, i32
  }
  func.func @transform_5(%arg0: i32) -> (i32, i32) {
    %c0_i32 = arith.constant 0 : i32
    %c0_i32_0 = arith.constant 0 : i32
    %c0_i32_1 = arith.constant 0 : i32
    return %c0_i32, %c0_i32_0 : i32, i32
  }
  func.func @transform_6(%arg0: i32) -> (i32, i32) {
    %c0_i32 = arith.constant 0 : i32
    %c0_i32_0 = arith.constant 0 : i32
    %c0_i32_1 = arith.constant 0 : i32
    return %c0_i32, %c0_i32_0 : i32, i32
  }
  func.func @transform_7(%arg0: i32) -> (i32, i32) {
    %c0_i32 = arith.constant 0 : i32
    %c0_i32_0 = arith.constant 0 : i32
    %c0_i32_1 = arith.constant 0 : i32
    return %c0_i32, %c0_i32_0 : i32, i32
  }
  func.func @transform_8(%arg0: i32) -> (i32, i32) {
    %c0_i32 = arith.constant 0 : i32
    %c0_i32_0 = arith.constant 0 : i32
    %c0_i32_1 = arith.constant 0 : i32
    return %c0_i32, %c0_i32_0 : i32, i32
  }
  func.func @transform_9(%arg0: i32) -> (i32, i32) {
    %c0_i32 = arith.constant 0 : i32
    %c0_i32_0 = arith.constant 0 : i32
    %c0_i32_1 = arith.constant 0 : i32
    return %c0_i32, %c0_i32_0 : i32, i32
  }
  func.func @transform_10(%arg0: i32) -> (i32, i32) {
    %c0_i32 = arith.constant 0 : i32
    %c0_i32_0 = arith.constant 0 : i32
    %c0_i32_1 = arith.constant 0 : i32
    return %c0_i32, %c0_i32_0 : i32, i32
  }
  func.func @transform_11(%arg0: i32) -> (i32, i32) {
    %c0_i32 = arith.constant 0 : i32
    %c0_i32_0 = arith.constant 0 : i32
    %c0_i32_1 = arith.constant 0 : i32
    return %c0_i32, %c0_i32_0 : i32, i32
  }
  func.func @transform_12(%arg0: i32) -> (i32, i32) {
    %c0_i32 = arith.constant 0 : i32
    %c0_i32_0 = arith.constant 0 : i32
    %c0_i32_1 = arith.constant 0 : i32
    return %c0_i32, %c0_i32_0 : i32, i32
  }
  func.func @transform_13(%arg0: i32) -> (i32, i32) {
    %c0_i32 = arith.constant 0 : i32
    %c0_i32_0 = arith.constant 0 : i32
    %c0_i32_1 = arith.constant 0 : i32
    return %c0_i32, %c0_i32_0 : i32, i32
  }
  func.func @transform_14(%arg0: i32) -> (i32, i32) {
    %c0_i32 = arith.constant 0 : i32
    %c0_i32_0 = arith.constant 0 : i32
    %c0_i32_1 = arith.constant 0 : i32
    return %c0_i32, %c0_i32_0 : i32, i32
  }
  func.func @transform_15(%arg0: i32) -> (i32, i32) {
    %c0_i32 = arith.constant 0 : i32
    %c0_i32_0 = arith.constant 0 : i32
    %c0_i32_1 = arith.constant 0 : i32
    return %c0_i32, %c0_i32_0 : i32, i32
  }
  func.func @transform_16(%arg0: i32) -> (i32, i32) {
    %c0_i32 = arith.constant 0 : i32
    %c0_i32_0 = arith.constant 0 : i32
    %c0_i32_1 = arith.constant 0 : i32
    return %c0_i32, %c0_i32_0 : i32, i32
  }
  func.func @transform_17(%arg0: i32) -> (i32, i32) {
    %c0_i32 = arith.constant 0 : i32
    %c0_i32_0 = arith.constant 0 : i32
    %c0_i32_1 = arith.constant 0 : i32
    return %c0_i32, %c0_i32_0 : i32, i32
  }
  func.func @transform_18(%arg0: i32) -> (i32, i32) {
    %c0_i32 = arith.constant 0 : i32
    %c0_i32_0 = arith.constant 0 : i32
    return %arg0, %c0_i32 : i32, i32
  }
}

</mosaic_0001>

<sc_bundles>
// kernel: kernel.5.cloned.1.call-start
scs
__scs_entry_jumppad:
0x0: {  	(pc) =	sbr.rel $0x88, $3  }
0x1: {  	(tag) =	ssettag $0x0;
	lr =	simm.s32 $0x1  }
0x2: {  	[smem:$0x3F7E] =	sst lr;
	_ =	strace $0xD0000000  }
0x3: {  	_ = 	snop  }
0x4: {  	_ = 	snop  }
0x5: {  	_ = 	snop  }
0x6: {  	_ = 	snop  }
0x7: {  	_ = 	snop  }
__scs_overlays_trampoline_lowered:
0x8: {  	[smem:$0x3F8D] =	sst s0  }
0x9: {  	[smem:$0x3F8E] =	sst s1  }
0xa: {  	[smem:$0x3F8F] =	sst s2  }
0xb: {  	[smem:$0x3F90] =	sst s3  }
0xc: {  	[smem:$0x3F91] =	sst s4  }
0xd: {  	[smem:$0x3F92] =	sst s5  }
0xe: {  	[smem:$0x3F93] =	sst s6  }
0xf: {  	[smem:$0x3F94] =	sst s7  }
0x10: {  	[smem:$0x3F95] =	sst s8  }
0x11: {  	[smem:$0x3F96] =	sst s9;
	s0 =	simm.s32 @!p0 $0x0  }
0x12: {  	s1 =	sld [smem:$0x3F7C];
	s0 =	simm.s32 @p0 $0x1  }
0x13: {  	[smem:$0x3F97] =	sst s0;
	s0 =	simm.s32 @!p1 $0x0  }
0x14: {  	s2 =	sld [smem:$0x3F7B];
	s0 =	simm.s32 @p1 $0x1  }
0x15: {  	[smem:$0x3F98] =	sst s0;
	s0 =	simm.s32 @!p2 $0x0  }
0x16: {  	s3 =	sld [smem:$0x3FDB];
	s0 =	simm.s32 @p2 $0x1  }
0x17: {  	s4 =	simm.s32 $0x1BF5;
	[smem:$0x3F9A] =	sst s0  }
0x18: {  	s0 =	sld [smem:$0x3F7D];
	_ =	swait.ge [sflag:s4], $0x0  }
0x19: {  	s7 =	sld [smem:$0x3F7E]  }
0x1a: {  	s8 =	sadd.s32 $0xFFFFE003, lr  }
0x1b: {  	s9 =	sadd.s32 $0xFFFFFEF7, lr;
	s5 =	simm.s32 $0xFFFFFFFF;
	p2 =	slt.u32 s8, $0xFFFFF086  }
0x1c: {  	p1 =	slt.u32 s9, $0xF7A;
	s5 =	simm.s32 @!p2 $0x0  }
0x1d: {  	s5 =	simm.s32 @p1 $0x1;
	p0 =	seq.s32 s7, s2  }
0x1e: {  	s7 =	smul.u32 @!p0 $0xF7A, s2;
	p2 =	seq.s32 @!p0 s5, $0x0  }
0x1f: {  	s9 =	smul.u32 $0xF7A, s1;
	s8 =	simm.s32 @!p0 $0x1BF5;
	p2 =	por !p2, p0  }
0x20: {  	[sflag:s8] =	ssyncset.s32 @!p0 $0xFFFFF086;
	s6 =	sadd.s32 @!p0 s3, s7;
	s7 =	simm.s32 @!p0 $0x108  }
0x21: {  	s3 =	sadd.s32 s3, s9;
	s6 =	sadd.s32 @!p0 $0x88, s6;
	s7 =	simm.s32 @p2 $0x1082  }
0x22: {  	[simem:s7], [sflag:s8] =	dma.local @!p0 [hbm:s6], $0xF7A  }
0x23: {  	s9 =	sor.u32 $0xD0000000, s2;
	s6 =	simm.s32 $0x108;
	_ =	swait.ge @!p0 [sflag:s8], $0x0  }
0x24: {  	s3 =	sadd.s32 $0x88, s3;
	s6 =	simm.s32 @!p1 $0x1082;
	[sflag:s4] =	ssyncset.s32 $0xFFFFF086  }
0x25: {  	[simem:s6], [sflag:s4] =	dma.local [hbm:s3], $0xF7A  }
0x26: {  	[smem:$0x3F7E] =	sst s1;
	(tag) =	ssettag s2;
	_ =	strace s9  }
0x27: {  	s1 =	sld [smem:$0x3F8E]  }
0x28: {  	s2 =	sld [smem:$0x3F8F]  }
0x29: {  	s4 =	sld [smem:$0x3F91]  }
0x2a: {  	p0 =	seq.s32 s5, $0x0;
	s5 =	sld [smem:$0x3F92]  }
0x2b: {  	s6 =	sld [smem:$0x3F93]  }
0x2c: {  	s7 =	sld [smem:$0x3F94]  }
0x2d: {  	s3 =	simm.s32 $0x108;
	s8 =	sld [smem:$0x3F95]  }
0x2e: {  	s3 =	simm.s32 @!p0 $0x1082;
	s9 =	sld [smem:$0x3F96]  }
0x2f: {  	lr =	sadd.s32 s0, s3;
	s0 =	sld [smem:$0x3F8D]  }
0x30: {  	s3 =	sld [smem:$0x3F90]  }
0x31: {  	[smem:$0x3F99] =	sst s10  }
0x32: {  	s10 =	sld [smem:$0x3F97];
	_ =	sdelay $0x3  }
0x33: {  	p0 =	seq.s32 s10, $0x1;
	s10 =	sld [smem:$0x3F99];
	_ =	sdelay $0x3  }
0x34: {  	[smem:$0x3F99] =	sst s10  }
0x35: {  	s10 =	sld [smem:$0x3F98];
	_ =	sdelay $0x3  }
0x36: {  	p1 =	seq.s32 s10, $0x1;
	s10 =	sld [smem:$0x3F99];
	_ =	sdelay $0x3  }
0x37: {  	[smem:$0x3F99] =	sst s10  }
0x38: {  	s10 =	sld [smem:$0x3F9A]  }
0x39: {  	_ = 	snop;
	(pc) =	sbr.ind lr, $3  }
0x3a: {  	_ = 	snop  }
0x3b: {  	_ = 	snop  }
0x3c: {  	p2 =	seq.s32 s10, $0x1;
	s10 =	sld [smem:$0x3F99]  }
0x3d: {  	_ =	shalt  }
0x3e: {  	_ =	shalt  }
0x3f: {  	_ =	shalt  }
0x40: {  	_ =	shalt  }
0x41: {  	_ =	shalt  }
0x42: {  	_ =	shalt  }
0x43: {  	_ =	shalt  }
0x44: {  	_ =	shalt  }
0x45: {  	_ =	shalt  }
0x46: {  	_ =	shalt  }
0x47: {  	_ =	shalt  }
0x48: {  	_ =	shalt  }
0x49: {  	_ =	shalt  }
0x4a: {  	_ =	shalt  }
0x4b: {  	_ =	shalt  }
0x4c: {  	_ =	shalt  }
0x4d: {  	_ =	shalt  }
0x4e: {  	_ =	shalt  }
0x4f: {  	_ =	shalt  }
0x50: {  	_ =	shalt  }
0x51: {  	_ =	shalt  }
0x52: {  	_ =	shalt  }
0x53: {  	_ =	shalt  }
0x54: {  	_ =	shalt  }
0x55: {  	_ =	shalt  }
0x56: {  	_ =	shalt  }
0x57: {  	_ =	shalt  }
0x58: {  	_ =	shalt  }
0x59: {  	_ =	shalt  }
0x5a: {  	_ =	shalt  }
0x5b: {  	_ =	shalt  }
0x5c: {  	_ =	shalt  }
0x5d: {  	_ =	shalt  }
0x5e: {  	_ =	shalt  }
0x5f: {  	_ =	shalt  }
0x60: {  	_ =	shalt  }
0x61: {  	_ =	shalt  }
0x62: {  	_ =	shalt  }
0x63: {  	_ =	shalt  }
0x64: {  	_ =	shalt  }
0x65: {  	_ =	shalt  }
0x66: {  	_ =	shalt  }
0x67: {  	_ =	shalt  }
0x68: {  	_ =	shalt  }
0x69: {  	_ =	shalt  }
0x6a: {  	_ =	shalt  }
0x6b: {  	_ =	shalt  }
0x6c: {  	_ =	shalt  }
0x6d: {  	_ =	shalt  }
0x6e: {  	_ =	shalt  }
0x6f: {  	_ =	shalt  }
0x70: {  	_ =	shalt  }
0x71: {  	_ =	shalt  }
0x72: {  	_ =	shalt  }
0x73: {  	_ =	shalt  }
0x74: {  	_ =	shalt  }
0x75: {  	_ =	shalt  }
0x76: {  	_ =	shalt  }
0x77: {  	_ =	shalt  }
0x78: {  	_ =	shalt  }
0x79: {  	_ =	shalt  }
0x7a: {  	_ =	shalt  }
0x7b: {  	_ =	shalt  }
0x7c: {  	_ =	shalt  }
0x7d: {  	_ =	shalt  }
0x7e: {  	_ =	shalt  }
0x7f: {  	_ =	shalt  }
0x80: {  	_ =	shalt  }
0x81: {  	_ =	shalt  }
0x82: {  	_ =	shalt  }
0x83: {  	_ =	shalt  }
0x84: {  	_ =	shalt  }
0x85: {  	_ =	shalt  }
0x86: {  	_ =	shalt  }
0x87: {  	_ =	shalt  }
.Lfunc_end0:
.L_simem_size_0:
called_computation_lowered:
.L_overlay_start_0:
0x88: {  	s2 =	sld [smem:$0x3FD9]  }
0x89: {  	s3 =	sld [smem:$0x3FFE];
	_ =	sdelay $0x1  }
0x8a: {  	s1 =	srdreg.scid  }
0x8b: {  	s0 =	sand.u32 $0x1, s1  }
0x8c: {  	s17 =	sshll.u32 s0, $0xA;
	s2 =	sadd.s32 s3, s2  }
0x8d: {  	s2 =	sadd.s32 s2, s17  }
0x8e: {  	[smem:$0x3FA5] =	sst s2  }
0x8f: {  	_ = 	snop  }
0x90: {  	s2 =	sld [smem:$0x3FA9];
	(tm) =	ssettm $0x1  }
0x91: {  	s18 =	sld [smem:$0x3FFB];
	_ =	sdelay $0x3  }
0x92: {  	_ =	strace s18  }
0x93: {  	s3 =	sld [smem:$0x3FFC];
	_ =	sdelay $0x3  }
0x94: {  	_ =	strace s3  }
0x95: {  	s3 =	sld [smem:$0x3FFD];
	_ =	sdelay $0x3  }
0x96: {  	_ =	strace s3  }
0x97: {  	_ =	strace $0x8FFFFFFF  }
0x98: {  	s19 =	sld [smem:$0x3FDB];
	_ =	sdelay $0x1  }
0x99: {  	s4 =	simm.s32 $_scs_section_size  }
0x9a: {  	s5 =	simm.s32 $_size__tile_overlayer_lowered;
	s6 =	simm.s32 $_tile_overlayer_lowered  }
0x9b: {  	s22 =	simm.s32 $0x1BFF;
	s21 =	sshll.u32 s6, $0x1;
	s3 =	sadd.s32 s4, s19  }
0x9c: {  	s7 =	simm.s32 $0x0;
	s20 =	sshll.u32 s5, $0x1;
	s5 =	sadd.s32 s21, s3  }
0x9d: {  	[timem:s7], [sflag:s22] =	dma.local [hbm:s5], s20  }
0x9e: {  	_ =	swait.ge [sflag:s22], s20  }
0x9f: {  	s4 =	ssub.s32 $0x0, s20;
	[sflag:s22] =	ssyncset.done $0x0  }
0xa0: {  	[sflag:s22] =	ssyncadd.s32 s4;
	_ =	sdelay $0x1  }
0xa1: {  	s23 =	simm.s32 $0x1B8B  }
0xa2: {  	_ =	swait.ge [sflag:s23], $0x1  }
0xa3: {  	[sflag:s23] =	ssyncset.done $0x0  }
0xa4: {  	s25 =	simm.s32 $0x1B8E;
	s24 =	sld [smem:$0x3FFE];
	[sflag:s23] =	ssyncadd.s32 $0xFFFFFFFF  }
0xa5: {  	s26 =	simm.s32 $execute0_lowered;
	[smem:$0x3FD2] =	sst s25  }
0xa6: {  	s5 =	sshll.u32 s26, $0x1;
	_ =	strace $0x80000046;
	[dreg:$0x1] =	wrdreg $0xFFFFFFFF  }
0xa7: {  	s28 =	simm.s32 $_size_execute0_lowered;
	s3 =	sadd.s32 s3, s5;
	[dreg:$0x0] =	wrdreg $0x0  }
0xa8: {  	s5 =	sshll.u32 s28, $0x1;
	[dreg:$0x2] =	wrdreg s3  }
0xa9: {  	[dreg:$0x3] =	wrdreg s5  }
0xaa: {  	[dreg:$0x4] =	wrdreg $0xC0  }
0xab: {  	_ =	task [dreg:s7], $0x5FFFF  }
0xac: {  	[dreg:$0x1] =	wrdreg $0xFFFFFFFF  }
0xad: {  	[dreg:$0x0] =	wrdreg $0x60  }
0xae: {  	[dreg:$0x2] =	wrdreg s24  }
0xaf: {  	[dreg:$0x3] =	wrdreg s2  }
0xb0: {  	[dreg:$0x4] =	wrdreg $0x9  }
0xb1: {  	_ =	task.clear_ibuf [dreg:s7], $0x5FFFF;
	_ =	strace $0x90000046  }
0xb2: {  	s29 =	simm.s32 $0x9;
	_ =	strace $0x80000048  }
0xb3: {  	_ =	swait.ge [sflag:s29], $0x1  }
0xb4: {  	[sflag:s29] =	ssyncadd.s32 $0xFFFFFFFF  }
0xb5: {  	_ =	strace $0x90000048  }
0xb6: {  	_ =	sfence  }
0xb7: {  	s30 =	sld [smem:$0x0];
	_ =	sdelay $0x2  }
0xb8: {  	s31 =	sshll.u32 s1, $0xD;
	s1 =	sshrl.u32 s1, $0x2  }
0xb9: {  	s3 =	sand.u32 $0x4000, s31;
	s1 =	sadd.s32 s1, s30  }
0xba: {  	s0 =	sor.u32 s3, s0;
	s1 =	sshll.u32 s1, $0x11  }
0xbb: {  	s0 =	sor.u32 s1, s0  }
0xbc: {  	s0 =	sadd.s32 $0x8F2B, s0  }
0xbd: {  	[sflag:s0] =	ssyncadd.remote.s32 $0x1  }
0xbe: {  	_ =	sfence.sel $0xFFFF  }
0xbf: {  	[dreg:$0x0] =	wrdreg $0xFFFFFFFF;
	(pc) =	sbr.abs _section_cstart, $3  }
0xc0: {  	[dreg:$0x1] =	wrdreg $0xFFFFFFFF  }
0xc1: {  	_ =	task.clear_ibuf [dreg:s7], $0x2FFFF;
	_ =	strace $0x9FFFFFFF  }
0xc2: {  	(tm) =	ssettm $0x7FFFFFFF  }
0xc3: {  	_ =	shalt  }
tec
execute0_lowered:
.L_overlay_start_1:
0x0: {  	(tag) =	ssettag $0x1  }
0x1: {  	s0 =	rddreg [dreg:$0x0]  }
0x2: {  	s1 =	rddreg [dreg:$0x1]  }
0x3: {  	s2 =	simm.s32 $0x0;
	s3 =	srdreg.scid;
	s10 =	stileid.u32  }
0x4: {  	s15 =	simm.s32 $0x1C80;
	[smem:$0x7FF] =	sst s2;
	s11 =	sadd.s32 $0xD4200, s0  }
0x5: {  	s16 =	simm.s32 $0x2080;
	_ =	strace $0x80000047;
	[dreg:$0xf] =	wrdreg s11  }
0x6: {  	s17 =	simm.s32 $0x2880;
	s19 =	simm.s32 $0x2C80;
	[dreg:$0x4] =	wrdreg s15  }
0x7: {  	s20 =	simm.s32 $0x3480;
	s18 =	sadd.s32 $0xD4300, s0;
	[dreg:$0x5] =	wrdreg s16  }
0x8: {  	s22 =	simm.s32 $0x3880;
	s24 =	simm.s32 $0x4080;
	[dreg:$0x13] =	wrdreg s18  }
0x9: {  	s26 =	simm.s32 $0x4480;
	s5 =	sand.u32 $0x1, s3;
	[dreg:$0x6] =	wrdreg s17  }
0xa: {  	s29 =	sshll.u32 s10, $0x1;
	s6 =	smul.u32 $0x1400, s10;
	[dreg:$0x7] =	wrdreg s19  }
0xb: {  	s3 =	sadd.s32 $0x5C200, s0;
	s30 =	smul.u32 $0xA0000, s10;
	[dreg:$0x8] =	wrdreg s20  }
0xc: {  	s4 =	sadd.s32 $0x2CAA00, s0;
	s8 =	smul.u32 $0xA00, s5;
	[dreg:$0x9] =	wrdreg s22  }
0xd: {  	s7 =	sor.u32 s5, s29;
	s31 =	smul.u32 $0x50000, s5;
	[dreg:$0xa] =	wrdreg s24  }
0xe: {  	s5 =	ssub.s32 $0x2, s5;
	[dreg:$0xb] =	wrdreg s26;
	s29 =	simm.s32 $0x4C80  }
0xf: {  	s16 =	simm.s32 $0x2;
	s22 =	simm.s32 $0x1480;
	s9 =	smul.u32 $0xA00, s7  }
0x10: {  	s15 =	simm.s32 $0x80;
	s12 =	smul.u32 $0x2800, s7;
	s13 =	sshrl.u32 s5, $0x1  }
0x11: {  	s7 =	sshll.u32 s7, $0x4;
	[dreg:$0xc] =	wrdreg s29;
	s6 =	sadd.s32 s8, s6  }
0x12: {  	s8 =	sadd.s32 s31, s30;
	s5 =	ssub.s32 s5, s13;
	s1 =	sadd.s32 s1, s7  }
0x13: {  	s30 =	simm.s32 $0x5080;
	s31 =	simm.s32 $0x5880;
	[dreg:$0x12] =	wrdreg s1  }
0x14: {  	s9 =	sshrl.u32 s9, $0x3;
	s6 =	sshrl.u32 s6, $0x3;
	[dreg:$0xd] =	wrdreg s30  }
0x15: {  	s10 =	sadd.s32 s12, s0;
	s21 =	smax.u32 s5, $0x1;
	[dreg:$0xe] =	wrdreg s31  }
0x16: {  	s8 =	sshrl.u32 s8, $0x3;
	[dreg:$0x15] =	wrdreg s21;
	s23 =	sadd.s32 $0x5200, s10  }
0x17: {  	s9 =	sadd.s32 s9, s0;
	s25 =	sadd.s32 $0x6600, s10;
	[dreg:$0x16] =	wrdreg s23  }
0x18: {  	s6 =	smul.u32 $0x180, s6;
	s14 =	sadd.s32 $0x57200, s9;
	[dreg:$0x17] =	wrdreg s25  }
0x19: {  	s8 =	sadd.s32 s8, s0;
	s9 =	sadd.s32 $0x59A00, s9;
	[dreg:$0x10] =	wrdreg s14  }
0x1a: {  	s28 =	sadd.s32 $0x8FBA00, s8;
	s6 =	sadd.s32 s6, s0;
	[dreg:$0x11] =	wrdreg s9  }
0x1b: {  	v2 =	vlaneseq.u32;
	s9 =	sadd.s32 $0x5C300, s0;
	s0 =	sadd.s32 $0xD4400, s0;
	[dreg:$0x18] =	wrdreg s28  }
0x1c: {  	vm0 =	vmmov $0xffff;
	vm1 =	vmmov $0xff;
	v1 =	vshrl.u32 v2, $0x3;
	s5 =	simm.s32 $0xD480;
	s6 =	sadd.s32 $0x53BA00, s6;
	[dreg:$0x14] =	wrdreg s0  }
0x1d: {  	v0 =	vand.u32 $0x7, v2;
	v2 =	vor.u32 $0x8, v2;
	v1 =	vmul.u32 $0x8, v1;
	s14 =	simm.s32 $0x1;
	s0 =	simm.s32 $0x0;
	[dreg:$0x3] =	wrdreg s6  }
.LBB2_1:
0x1e: {  	[dreg:$0x19] =	wrdreg s0  }
0x1f: {  	s10 =	rddreg [dreg:$0x10]  }
0x20: {  	s11 =	simm.s32 $0xA00;
	s26 =	simm.s32 $0x1400;
	s28 =	simm.s32 $0x7480  }
0x21: {  	s29 =	simm.s32 $0x7C80;
	s30 =	simm.s32 $0x8080;
	s31 =	simm.s32 $0x8880  }
0x22: {  	[tilespmem:s2], [sflag:$0x2] =	stream.linear.gather [hbm4b:s10+s2], $0xA00, $0x38;
	[tilespmem:$0x1B480] =	vst v63  }
0x23: {  	s0 =	simm.s32 $0x8C80;
	s1 =	simm.s32 $0x9480;
	_ =	swait.ge [sflag:s16], $0xA00  }
0x24: {  	s17 =	simm.s32 $0x9880;
	s18 =	simm.s32 $0xA080;
	[sflag:s16] =	ssyncset.done $0x0  }
0x25: {  	s6 =	simm.s32 $0xA480;
	s24 =	rddreg [dreg:$0x11];
	[sflag:s16] =	ssyncadd.s32 $0xFFFFF600  }
0x26: {  	[tilespmem:s11], [sflag:$0x2] =	stream.linear.gather [hbm4b:s24+s2], $0xA00, $0x38;
	[tilespmem:$0x1B480] =	vst v63  }
0x27: {  	s7 =	simm.s32 $0xAC80;
	s8 =	simm.s32 $0xB080;
	_ =	swait.ge [sflag:s16], $0xA00  }
0x28: {  	s12 =	simm.s32 $0xB880;
	s13 =	simm.s32 $0xBC80;
	[sflag:s16] =	ssyncset.done $0x0  }
0x29: {  	s19 =	simm.s32 $0xC480;
	s25 =	rddreg [dreg:$0x12];
	[sflag:s16] =	ssyncadd.s32 $0xFFFFF600  }
0x2a: {  	[tilespmem:s26], [sflag:$0x2] =	stream.linear.gather [hbm4b:s25+s2], $0x80, $0x38;
	[tilespmem:$0x1B480] =	vst v63  }
0x2b: {  	s23 =	simm.s32 $0xC880;
	s10 =	simm.s32 $0x40;
	_ =	swait.ge [sflag:s16], $0x80  }
0x2c: {  	s11 =	simm.s32 $0x0;
	s24 =	simm.s32 $0xD080;
	[sflag:s16] =	ssyncset.done $0x0  }
0x2d: {  	s25 =	simm.s32 $0x6880;
	s26 =	simm.s32 $0x7080;
	[sflag:s16] =	ssyncadd.s32 $0xFFFFFF80  }
.LBB2_2:
0x2e: {  	v3 =	vld [tilespmem:s10+$0xFFFFFFC0];
	_ =	sdelay $0x4  }
0x2f: {  	v4 =	vshrl.u32 v3, $0x3  }
0x30: {  	v4 =	vmul.u32 $0x18, v4  }
0x31: {  	v3 =	vand.u32 $0x7, v3  }
0x32: {  	v3 =	vor.u32 v3, v4  }
0x33: {  	v4 =	vperm.xlane v3, v0;
	_ =	sdelay $0x1  }
0x34: {  	v4 =	vadd.s32 v1, v4;
	_ =	sdelay $0x1  }
0x35: {  	v3 =	vperm.xlane v3, v2;
	_ =	sdelay $0x1  }
0x36: {  	s20 =	simm.s32 $0x0;
	v3 =	vadd.s32 v1, v3  }
0x37: {  	[tilespmem:s22], [sflag:$0x1] =	stream.indirect_vreg.gather [hbm4b:s3+s20], $0x80, v4, vm0, $0xb8;
	[tilespmem:$0x1B480] =	vst v63  }
0x38: {  	s21 =	rddreg [dreg:$0x4]  }
0x39: {  	[tilespmem:s21], [sflag:$0x1] =	stream.indirect_vreg.gather [hbm4b:s9+s20], $0x80, v4, vm1, $0xb8;
	[tilespmem:$0x1B480] =	vst v63  }
0x3a: {  	s22 =	rddreg [dreg:$0x5]  }
0x3b: {  	[tilespmem:s22], [sflag:$0x1] =	stream.indirect_vreg.gather [hbm4b:s3+s20], $0x80, v3, vm0, $0xb8;
	[tilespmem:$0x1B480] =	vst v63  }
0x3c: {  	s21 =	rddreg [dreg:$0x6]  }
0x3d: {  	[tilespmem:s21], [sflag:$0x1] =	stream.indirect_vreg.gather [hbm4b:s9+s20], $0x80, v3, vm1, $0xb8;
	[tilespmem:$0x1B480] =	vst v63  }
0x3e: {  	v3 =	vld [tilespmem:s10+$0xFFFFFFD0];
	_ =	sdelay $0x4  }
0x3f: {  	v57 =	vshrl.u32 v3, $0x3  }
0x40: {  	v4 =	vmul.u32 $0x18, v57  }
0x41: {  	v3 =	vand.u32 $0x7, v3  }
0x42: {  	v3 =	vor.u32 v3, v4  }
0x43: {  	v4 =	vperm.xlane v3, v0;
	_ =	sdelay $0x1  }
0x44: {  	v4 =	vadd.s32 v1, v4;
	_ =	sdelay $0x1  }
0x45: {  	v3 =	vperm.xlane v3, v2;
	_ =	sdelay $0x1  }
0x46: {  	s21 =	rddreg [dreg:$0x7];
	v3 =	vadd.s32 v1, v3  }
0x47: {  	[tilespmem:s21], [sflag:$0x1] =	stream.indirect_vreg.gather [hbm4b:s3+s20], $0x80, v4, vm0, $0xb8;
	[tilespmem:$0x1B480] =	vst v63  }
0x48: {  	s22 =	rddreg [dreg:$0x8]  }
0x49: {  	[tilespmem:s22], [sflag:$0x1] =	stream.indirect_vreg.gather [hbm4b:s9+s20], $0x80, v4, vm1, $0xb8;
	[tilespmem:$0x1B480] =	vst v63  }
0x4a: {  	s21 =	rddreg [dreg:$0x9]  }
0x4b: {  	[tilespmem:s21], [sflag:$0x1] =	stream.indirect_vreg.gather [hbm4b:s3+s20], $0x80, v3, vm0, $0xb8;
	[tilespmem:$0x1B480] =	vst v63  }
0x4c: {  	s22 =	rddreg [dreg:$0xa]  }
0x4d: {  	[tilespmem:s22], [sflag:$0x1] =	stream.indirect_vreg.gather [hbm4b:s9+s20], $0x80, v3, vm1, $0xb8;
	[tilespmem:$0x1B480] =	vst v63  }
0x4e: {  	v3 =	vld [tilespmem:s10+$0xFFFFFFE0];
	_ =	sdelay $0x4  }
0x4f: {  	v58 =	vshrl.u32 v3, $0x3  }
0x50: {  	v4 =	vmul.u32 $0x18, v58  }
0x51: {  	v3 =	vand.u32 $0x7, v3  }
0x52: {  	v3 =	vor.u32 v3, v4  }
0x53: {  	v4 =	vperm.xlane v3, v0;
	_ =	sdelay $0x1  }
0x54: {  	v4 =	vadd.s32 v1, v4;
	_ =	sdelay $0x1  }
0x55: {  	v3 =	vperm.xlane v3, v2;
	_ =	sdelay $0x1  }
0x56: {  	s21 =	rddreg [dreg:$0xb];
	v3 =	vadd.s32 v1, v3  }
0x57: {  	[tilespmem:s21], [sflag:$0x1] =	stream.indirect_vreg.gather [hbm4b:s3+s20], $0x80, v4, vm0, $0xb8;
	[tilespmem:$0x1B480] =	vst v63  }
0x58: {  	s22 =	rddreg [dreg:$0xc]  }
0x59: {  	[tilespmem:s22], [sflag:$0x1] =	stream.indirect_vreg.gather [hbm4b:s9+s20], $0x80, v4, vm1, $0xb8;
	[tilespmem:$0x1B480] =	vst v63  }
0x5a: {  	s21 =	rddreg [dreg:$0xd]  }
0x5b: {  	[tilespmem:s21], [sflag:$0x1] =	stream.indirect_vreg.gather [hbm4b:s3+s20], $0x80, v3, vm0, $0xb8;
	[tilespmem:$0x1B480] =	vst v63  }
0x5c: {  	s22 =	rddreg [dreg:$0xe]  }
0x5d: {  	[tilespmem:s22], [sflag:$0x1] =	stream.indirect_vreg.gather [hbm4b:s9+s20], $0x80, v3, vm1, $0xb8;
	[tilespmem:$0x1B480] =	vst v63  }
0x5e: {  	v3 =	vld [tilespmem:s10+$0xFFFFFFF0];
	_ =	sdelay $0x4  }
0x5f: {  	v59 =	vshrl.u32 v3, $0x3  }
0x60: {  	v4 =	vmul.u32 $0x18, v59  }
0x61: {  	v3 =	vand.u32 $0x7, v3  }
0x62: {  	v3 =	vor.u32 v3, v4  }
0x63: {  	v4 =	vperm.xlane v3, v0;
	_ =	sdelay $0x1  }
0x64: {  	v4 =	vadd.s32 v1, v4;
	_ =	sdelay $0x1  }
0x65: {  	v3 =	vperm.xlane v3, v2;
	_ =	sdelay $0x1  }
0x66: {  	s21 =	simm.s32 $0x5C80;
	v3 =	vadd.s32 v1, v3  }
0x67: {  	[tilespmem:s21], [sflag:$0x1] =	stream.indirect_vreg.gather [hbm4b:s3+s20], $0x80, v4, vm0, $0xb8;
	[tilespmem:$0x1B480] =	vst v63  }
0x68: {  	s21 =	simm.s32 $0x6480  }
0x69: {  	[tilespmem:s21], [sflag:$0x1] =	stream.indirect_vreg.gather [hbm4b:s9+s20], $0x80, v4, vm1, $0xb8;
	[tilespmem:$0x1B480] =	vst v63  }
0x6a: {  	_ = 	snop  }
0x6b: {  	[tilespmem:s25], [sflag:$0x1] =	stream.indirect_vreg.gather [hbm4b:s3+s20], $0x80, v3, vm0, $0xb8;
	[tilespmem:$0x1B480] =	vst v63  }
0x6c: {  	_ = 	snop  }
0x6d: {  	[tilespmem:s26], [sflag:$0x1] =	stream.indirect_vreg.gather [hbm4b:s9+s20], $0x80, v3, vm1, $0xb8;
	[tilespmem:$0x1B480] =	vst v63  }
0x6e: {  	v3 =	vld [tilespmem:s10+$0x0];
	_ =	sdelay $0x4  }
0x6f: {  	v60 =	vshrl.u32 v3, $0x3  }
0x70: {  	v4 =	vmul.u32 $0x18, v60  }
0x71: {  	v3 =	vand.u32 $0x7, v3  }
0x72: {  	v3 =	vor.u32 v3, v4  }
0x73: {  	v4 =	vperm.xlane v3, v0;
	_ =	sdelay $0x1  }
0x74: {  	v4 =	vadd.s32 v1, v4;
	_ =	sdelay $0x1  }
0x75: {  	v3 =	vperm.xlane v3, v2;
	_ =	sdelay $0x1  }
0x76: {  	v3 =	vadd.s32 v1, v3  }
0x77: {  	[tilespmem:s28], [sflag:$0x1] =	stream.indirect_vreg.gather [hbm4b:s3+s20], $0x80, v4, vm0, $0xb8;
	[tilespmem:$0x1B480] =	vst v63  }
0x78: {  	_ = 	snop  }
0x79: {  	[tilespmem:s29], [sflag:$0x1] =	stream.indirect_vreg.gather [hbm4b:s9+s20], $0x80, v4, vm1, $0xb8;
	[tilespmem:$0x1B480] =	vst v63  }
0x7a: {  	_ = 	snop  }
0x7b: {  	[tilespmem:s30], [sflag:$0x1] =	stream.indirect_vreg.gather [hbm4b:s3+s20], $0x80, v3, vm0, $0xb8;
	[tilespmem:$0x1B480] =	vst v63  }
0x7c: {  	_ = 	snop  }
0x7d: {  	[tilespmem:s31], [sflag:$0x1] =	stream.indirect_vreg.gather [hbm4b:s9+s20], $0x80, v3, vm1, $0xb8;
	[tilespmem:$0x1B480] =	vst v63  }
0x7e: {  	v3 =	vld [tilespmem:s10+$0x10];
	_ =	sdelay $0x4  }
0x7f: {  	v61 =	vshrl.u32 v3, $0x3  }
0x80: {  	v4 =	vmul.u32 $0x18, v61  }
0x81: {  	v3 =	vand.u32 $0x7, v3  }
0x82: {  	v3 =	vor.u32 v3, v4  }
0x83: {  	v4 =	vperm.xlane v3, v0;
	_ =	sdelay $0x1  }
0x84: {  	v4 =	vadd.s32 v1, v4;
	_ =	sdelay $0x1  }
0x85: {  	v3 =	vperm.xlane v3, v2;
	_ =	sdelay $0x1  }
0x86: {  	v3 =	vadd.s32 v1, v3  }
0x87: {  	[tilespmem:s0], [sflag:$0x1] =	stream.indirect_vreg.gather [hbm4b:s3+s20], $0x80, v4, vm0, $0xb8;
	[tilespmem:$0x1B480] =	vst v63  }
0x88: {  	_ = 	snop  }
0x89: {  	[tilespmem:s1], [sflag:$0x1] =	stream.indirect_vreg.gather [hbm4b:s9+s20], $0x80, v4, vm1, $0xb8;
	[tilespmem:$0x1B480] =	vst v63  }
0x8a: {  	_ = 	snop  }
0x8b: {  	[tilespmem:s17], [sflag:$0x1] =	stream.indirect_vreg.gather [hbm4b:s3+s20], $0x80, v3, vm0, $0xb8;
	[tilespmem:$0x1B480] =	vst v63  }
0x8c: {  	_ = 	snop  }
0x8d: {  	[tilespmem:s18], [sflag:$0x1] =	stream.indirect_vreg.gather [hbm4b:s9+s20], $0x80, v3, vm1, $0xb8;
	[tilespmem:$0x1B480] =	vst v63  }
0x8e: {  	v3 =	vld [tilespmem:s10+$0x20];
	_ =	sdelay $0x4  }
0x8f: {  	v62 =	vshrl.u32 v3, $0x3  }
0x90: {  	v4 =	vmul.u32 $0x18, v62  }
0x91: {  	v3 =	vand.u32 $0x7, v3  }
0x92: {  	v3 =	vor.u32 v3, v4  }
0x93: {  	v4 =	vperm.xlane v3, v0;
	_ =	sdelay $0x1  }
0x94: {  	v4 =	vadd.s32 v1, v4;
	_ =	sdelay $0x1  }
0x95: {  	v3 =	vperm.xlane v3, v2;
	_ =	sdelay $0x1  }
0x96: {  	v3 =	vadd.s32 v1, v3  }
0x97: {  	[tilespmem:s6], [sflag:$0x1] =	stream.indirect_vreg.gather [hbm4b:s3+s20], $0x80, v4, vm0, $0xb8;
	[tilespmem:$0x1B480] =	vst v63  }
0x98: {  	_ = 	snop  }
0x99: {  	[tilespmem:s7], [sflag:$0x1] =	stream.indirect_vreg.gather [hbm4b:s9+s20], $0x80, v4, vm1, $0xb8;
	[tilespmem:$0x1B480] =	vst v63  }
0x9a: {  	_ = 	snop  }
0x9b: {  	[tilespmem:s8], [sflag:$0x1] =	stream.indirect_vreg.gather [hbm4b:s3+s20], $0x80, v3, vm0, $0xb8;
	[tilespmem:$0x1B480] =	vst v63  }
0x9c: {  	_ = 	snop  }
0x9d: {  	[tilespmem:s12], [sflag:$0x1] =	stream.indirect_vreg.gather [hbm4b:s9+s20], $0x80, v3, vm1, $0xb8;
	[tilespmem:$0x1B480] =	vst v63  }
0x9e: {  	v3 =	vld [tilespmem:s10+$0x30];
	_ =	sdelay $0x4  }
0x9f: {  	v63 =	vshrl.u32 v3, $0x3  }
0xa0: {  	v4 =	vmul.u32 $0x18, v63  }
0xa1: {  	v3 =	vand.u32 $0x7, v3  }
0xa2: {  	v3 =	vor.u32 v3, v4  }
0xa3: {  	v4 =	vperm.xlane v3, v0;
	_ =	sdelay $0x1  }
0xa4: {  	v4 =	vadd.s32 v1, v4;
	_ =	sdelay $0x1  }
0xa5: {  	v3 =	vperm.xlane v3, v2;
	_ =	sdelay $0x1  }
0xa6: {  	v3 =	vadd.s32 v1, v3  }
0xa7: {  	[tilespmem:s13], [sflag:$0x1] =	stream.indirect_vreg.gather [hbm4b:s3+s20], $0x80, v4, vm0, $0xb8;
	[tilespmem:$0x1B480] =	vst v63  }
0xa8: {  	_ = 	snop  }
0xa9: {  	[tilespmem:s19], [sflag:$0x1] =	stream.indirect_vreg.gather [hbm4b:s9+s20], $0x80, v4, vm1, $0xb8;
	[tilespmem:$0x1B480] =	vst v63  }
0xaa: {  	_ = 	snop  }
0xab: {  	[tilespmem:s23], [sflag:$0x1] =	stream.indirect_vreg.gather [hbm4b:s3+s20], $0x80, v3, vm0, $0xb8;
	[tilespmem:$0x1B480] =	vst v63  }
0xac: {  	_ = 	snop  }
0xad: {  	[tilespmem:s24], [sflag:$0x1] =	stream.indirect_vreg.gather [hbm4b:s9+s20], $0x80, v3, vm1, $0xb8;
	[tilespmem:$0x1B480] =	vst v63  }
0xae: {  	p0 =	sne.s32 s11, $0x1C800;
	_ =	swait.ge [sflag:s14], $0xC000  }
0xaf: {  	s22 =	simm.s32 $0x1480;
	s21 =	rddreg [dreg:$0x3];
	[sflag:s14] =	ssyncset.done $0x0  }
.Ltmp0:
0xb0: {  	[sflag:s14] =	ssyncadd.s32 $0xFFFF4000;
	s21 =	sadd.s32 s11, s21;
	(pc) =	sbr.rel @p0 .LBB2_2-.Ltmp0, $4  }
0xb1: {  	[hbm4b:s21+s20] =	stream.linear.scatter [tilespmem:s22], [sflag:$0x2], $0xC000, $0x38;
	[tilespmem:$0x1B480] =	vst v63  }
0xb2: {  	_ =	swait.ge [sflag:s16], $0xC000  }
0xb3: {  	[sflag:s16] =	ssyncset.done $0x0  }
0xb4: {  	s10 =	sadd.s32 $0x80, s10;
	s11 =	sadd.s32 $0x1800, s11;
	[sflag:s16] =	ssyncadd.s32 $0xFFFF4000  }
0xb5: {  	s10 =	simm.s32 $0xA00  }
0xb6: {  	[tilespmem:s5], [sflag:$0x1] =	stream.indirect.gather [hbm4b:s4+s15], $0x80, s10, s15, $0xb8;
	[tilespmem:$0x1B480] =	vst v63  }
0xb7: {  	_ =	swait.ge [sflag:s14], $0x4000  }
0xb8: {  	[sflag:s14] =	ssyncset.done $0x0  }
0xb9: {  	s31 =	rddreg [dreg:$0x18];
	[sflag:s14] =	ssyncadd.s32 $0xFFFFC000  }
0xba: {  	[hbm4b:s31+s2] =	stream.linear.scatter [tilespmem:s5], [sflag:$0x2], $0x4000, $0x38;
	[tilespmem:$0x1B480] =	vst v63  }
0xbb: {  	s11 =	simm.s32 $0x400;
	_ =	swait.ge [sflag:s16], $0x4000  }
0xbc: {  	s20 =	simm.s32 $0x80;
	s10 =	sadd.s32 $0x800, s31;
	[sflag:s16] =	ssyncset.done $0x0  }
.LBB2_4:
0xbd: {  	s20 =	sadd.s32 $0xA00, s20  }
0xbe: {  	[sflag:s16] =	ssyncadd.s32 $0xFFFFC000;
	s21 =	smov.u32 s11;
	s22 =	sadd.s32 $0x200, s11  }
0xbf: {  	[tilespmem:s5], [sflag:$0x1] =	stream.indirect.gather [hbm4b:s4+s15], $0x80, s20, s15, $0xb8;
	[tilespmem:$0x1B480] =	vst v63  }
0xc0: {  	p0 =	sne.s32 s11, $0x2600;
	_ =	swait.ge [sflag:s14], $0x4000  }
.Ltmp1:
0xc1: {  	[sflag:s14] =	ssyncset.done $0x0;
	(pc) =	sbr.rel @p0 .LBB2_4-.Ltmp1, $4  }
0xc2: {  	[sflag:s14] =	ssyncadd.s32 $0xFFFFC000  }
0xc3: {  	[hbm4b:s10+s2] =	stream.linear.scatter [tilespmem:s5], [sflag:$0x2], $0x4000, $0x38;
	[tilespmem:$0x1B480] =	vst v63  }
0xc4: {  	s20 =	sshra.s32 s21, $0x2;
	_ =	swait.ge [sflag:s16], $0x4000  }
0xc5: {  	s11 =	smov.u32 s22;
	s10 =	sadd.s32 $0x800, s10;
	[sflag:s16] =	ssyncset.done $0x0  }
0xc6: {  	s11 =	sadd.s32 $0xA00, s20;
	[sflag:s16] =	ssyncadd.s32 $0xFFFFC000  }
0xc7: {  	[tilespmem:s5], [sflag:$0x1] =	stream.indirect.gather [hbm4b:s4+s15], $0x80, s11, s15, $0xb8;
	[tilespmem:$0x1B480] =	vst v63  }
0xc8: {  	_ =	swait.ge [sflag:s14], $0x4000  }
0xc9: {  	[sflag:s14] =	ssyncset.done $0x0  }
0xca: {  	[sflag:s14] =	ssyncadd.s32 $0xFFFFC000  }
0xcb: {  	[hbm4b:s10+s2] =	stream.linear.scatter [tilespmem:s5], [sflag:$0x2], $0x4000, $0x38;
	[tilespmem:$0x1B480] =	vst v63  }
0xcc: {  	_ =	swait.ge [sflag:s16], $0x4000  }
0xcd: {  	[sflag:s16] =	ssyncset.done $0x0  }
0xce: {  	[sflag:s16] =	ssyncadd.s32 $0xFFFFC000  }
0xcf: {  	v3 =	vld [tilespmem:$0x1400];
	_ =	sdelay $0x4  }
0xd0: {  	v4 =	vshrl.u32 v3, $0x3  }
0xd1: {  	v4 =	vmul.u32 $0x28, v4  }
0xd2: {  	v3 =	vand.u32 $0x7, v3  }
0xd3: {  	v3 =	vor.u32 v3, v4  }
0xd4: {  	v4 =	vperm.xlane v3, v0;
	_ =	sdelay $0x1  }
0xd5: {  	v4 =	vadd.s32 v1, v4;
	_ =	sdelay $0x3  }
0xd6: {  	s0 =	simm.s32 $0x11480;
	s10 =	rddreg [dreg:$0xf];
	v3 =	vperm.xlane v3, v2  }
0xd7: {  	[tilespmem:s0], [sflag:$0x1] =	stream.indirect_vreg.gather [hbm4b:s10+s2], $0x80, v4, vm0, $0xb8;
	[tilespmem:$0x1B480] =	vst v63  }
0xd8: {  	s1 =	simm.s32 $0x11C80;
	s11 =	rddreg [dreg:$0x13];
	v3 =	vadd.s32 v1, v3  }
0xd9: {  	[tilespmem:s1], [sflag:$0x1] =	stream.indirect_vreg.gather [hbm4b:s11+s2], $0x80, v4, vm0, $0xb8;
	[tilespmem:$0x1B480] =	vst v63  }
0xda: {  	s6 =	simm.s32 $0x12480;
	s20 =	rddreg [dreg:$0x14]  }
0xdb: {  	[tilespmem:s6], [sflag:$0x1] =	stream.indirect_vreg.gather [hbm4b:s20+s2], $0x80, v4, vm1, $0xb8;
	[tilespmem:$0x1B480] =	vst v63  }
0xdc: {  	s7 =	simm.s32 $0x12880  }
0xdd: {  	[tilespmem:s7], [sflag:$0x1] =	stream.indirect_vreg.gather [hbm4b:s10+s2], $0x80, v3, vm0, $0xb8;
	[tilespmem:$0x1B480] =	vst v63  }
0xde: {  	s8 =	simm.s32 $0x13080  }
0xdf: {  	[tilespmem:s8], [sflag:$0x1] =	stream.indirect_vreg.gather [hbm4b:s11+s2], $0x80, v3, vm0, $0xb8;
	[tilespmem:$0x1B480] =	vst v63  }
0xe0: {  	s12 =	simm.s32 $0x13880  }
0xe1: {  	[tilespmem:s12], [sflag:$0x1] =	stream.indirect_vreg.gather [hbm4b:s20+s2], $0x80, v3, vm1, $0xb8;
	[tilespmem:$0x1B480] =	vst v63  }
0xe2: {  	v3 =	vld [tilespmem:$0x1410];
	_ =	sdelay $0x4  }
0xe3: {  	v57 =	vshrl.u32 v3, $0x3  }
0xe4: {  	v4 =	vmul.u32 $0x28, v57  }
0xe5: {  	v3 =	vand.u32 $0x7, v3  }
0xe6: {  	v3 =	vor.u32 v3, v4  }
0xe7: {  	v4 =	vperm.xlane v3, v0;
	_ =	sdelay $0x1  }
0xe8: {  	v4 =	vadd.s32 v1, v4;
	_ =	sdelay $0x3  }
0xe9: {  	s13 =	simm.s32 $0x13C80;
	v3 =	vperm.xlane v3, v2  }
0xea: {  	[tilespmem:s13], [sflag:$0x1] =	stream.indirect_vreg.gather [hbm4b:s10+s2], $0x80, v4, vm0, $0xb8;
	[tilespmem:$0x1B480] =	vst v63  }
0xeb: {  	s17 =	simm.s32 $0x14480;
	v3 =	vadd.s32 v1, v3  }
0xec: {  	[tilespmem:s17], [sflag:$0x1] =	stream.indirect_vreg.gather [hbm4b:s11+s2], $0x80, v4, vm0, $0xb8;
	[tilespmem:$0x1B480] =	vst v63  }
0xed: {  	s18 =	simm.s32 $0x14C80  }
0xee: {  	[tilespmem:s18], [sflag:$0x1] =	stream.indirect_vreg.gather [hbm4b:s20+s2], $0x80, v4, vm1, $0xb8;
	[tilespmem:$0x1B480] =	vst v63  }
0xef: {  	s19 =	simm.s32 $0x15080  }
0xf0: {  	[tilespmem:s19], [sflag:$0x1] =	stream.indirect_vreg.gather [hbm4b:s10+s2], $0x80, v3, vm0, $0xb8;
	[tilespmem:$0x1B480] =	vst v63  }
0xf1: {  	s22 =	simm.s32 $0x15880  }
0xf2: {  	[tilespmem:s22], [sflag:$0x1] =	stream.indirect_vreg.gather [hbm4b:s11+s2], $0x80, v3, vm0, $0xb8;
	[tilespmem:$0x1B480] =	vst v63  }
0xf3: {  	s23 =	simm.s32 $0x16080  }
0xf4: {  	[tilespmem:s23], [sflag:$0x1] =	stream.indirect_vreg.gather [hbm4b:s20+s2], $0x80, v3, vm1, $0xb8;
	[tilespmem:$0x1B480] =	vst v63  }
0xf5: {  	v3 =	vld [tilespmem:$0x1420];
	_ =	sdelay $0x4  }
0xf6: {  	v58 =	vshrl.u32 v3, $0x3  }
0xf7: {  	v4 =	vmul.u32 $0x28, v58  }
0xf8: {  	v3 =	vand.u32 $0x7, v3  }
0xf9: {  	v3 =	vor.u32 v3, v4  }
0xfa: {  	v4 =	vperm.xlane v3, v0;
	_ =	sdelay $0x1  }
0xfb: {  	v4 =	vadd.s32 v1, v4;
	_ =	sdelay $0x3  }
0xfc: {  	s24 =	simm.s32 $0x16480;
	v3 =	vperm.xlane v3, v2  }
0xfd: {  	[tilespmem:s24], [sflag:$0x1] =	stream.indirect_vreg.gather [hbm4b:s10+s2], $0x80, v4, vm0, $0xb8;
	[tilespmem:$0x1B480] =	vst v63  }
0xfe: {  	s25 =	simm.s32 $0x16C80;
	v3 =	vadd.s32 v1, v3  }
0xff: {  	[tilespmem:s25], [sflag:$0x1] =	stream.indirect_vreg.gather [hbm4b:s11+s2], $0x80, v4, vm0, $0xb8;
	[tilespmem:$0x1B480] =	vst v63  }
0x100: {  	s26 =	simm.s32 $0x17480  }
0x101: {  	[tilespmem:s26], [sflag:$0x1] =	stream.indirect_vreg.gather [hbm4b:s20+s2], $0x80, v4, vm1, $0xb8;
	[tilespmem:$0x1B480] =	vst v63  }
0x102: {  	s28 =	simm.s32 $0x17880  }
0x103: {  	[tilespmem:s28], [sflag:$0x1] =	stream.indirect_vreg.gather [hbm4b:s10+s2], $0x80, v3, vm0, $0xb8;
	[tilespmem:$0x1B480] =	vst v63  }
0x104: {  	s29 =	simm.s32 $0x18080  }
0x105: {  	[tilespmem:s29], [sflag:$0x1] =	stream.indirect_vreg.gather [hbm4b:s11+s2], $0x80, v3, vm0, $0xb8;
	[tilespmem:$0x1B480] =	vst v63  }
0x106: {  	s30 =	simm.s32 $0x18880  }
0x107: {  	[tilespmem:s30], [sflag:$0x1] =	stream.indirect_vreg.gather [hbm4b:s20+s2], $0x80, v3, vm1, $0xb8;
	[tilespmem:$0x1B480] =	vst v63  }
0x108: {  	v3 =	vld [tilespmem:$0x1430];
	_ =	sdelay $0x4  }
0x109: {  	v59 =	vshrl.u32 v3, $0x3  }
0x10a: {  	v4 =	vmul.u32 $0x28, v59  }
0x10b: {  	v3 =	vand.u32 $0x7, v3  }
0x10c: {  	v3 =	vor.u32 v3, v4  }
0x10d: {  	v4 =	vperm.xlane v3, v0;
	_ =	sdelay $0x1  }
0x10e: {  	v4 =	vadd.s32 v1, v4;
	_ =	sdelay $0x3  }
0x10f: {  	s31 =	simm.s32 $0x18C80;
	v3 =	vperm.xlane v3, v2  }
0x110: {  	[tilespmem:s31], [sflag:$0x1] =	stream.indirect_vreg.gather [hbm4b:s10+s2], $0x80, v4, vm0, $0xb8;
	[tilespmem:$0x1B480] =	vst v63  }
0x111: {  	s21 =	simm.s32 $0x19480;
	v3 =	vadd.s32 v1, v3  }
0x112: {  	[tilespmem:s21], [sflag:$0x1] =	stream.indirect_vreg.gather [hbm4b:s11+s2], $0x80, v4, vm0, $0xb8;
	[tilespmem:$0x1B480] =	vst v63  }
0x113: {  	s21 =	simm.s32 $0x19C80  }
0x114: {  	[tilespmem:s21], [sflag:$0x1] =	stream.indirect_vreg.gather [hbm4b:s20+s2], $0x80, v4, vm1, $0xb8;
	[tilespmem:$0x1B480] =	vst v63  }
0x115: {  	s21 =	simm.s32 $0x1A080  }
0x116: {  	[tilespmem:s21], [sflag:$0x1] =	stream.indirect_vreg.gather [hbm4b:s10+s2], $0x80, v3, vm0, $0xb8;
	[tilespmem:$0x1B480] =	vst v63  }
0x117: {  	s21 =	simm.s32 $0x1A880  }
0x118: {  	[tilespmem:s21], [sflag:$0x1] =	stream.indirect_vreg.gather [hbm4b:s11+s2], $0x80, v3, vm0, $0xb8;
	[tilespmem:$0x1B480] =	vst v63  }
0x119: {  	s21 =	simm.s32 $0x1B080  }
0x11a: {  	[tilespmem:s21], [sflag:$0x1] =	stream.indirect_vreg.gather [hbm4b:s20+s2], $0x80, v3, vm1, $0xb8;
	[tilespmem:$0x1B480] =	vst v63  }
0x11b: {  	_ =	swait.ge [sflag:s14], $0xA000  }
0x11c: {  	[sflag:s14] =	ssyncset.done $0x0  }
0x11d: {  	s21 =	rddreg [dreg:$0x16];
	[sflag:s14] =	ssyncadd.s32 $0xFFFF6000  }
0x11e: {  	[hbm4b:s21+s2] =	stream.linear.scatter [tilespmem:s0], [sflag:$0x2], $0xA000, $0x38;
	[tilespmem:$0x1B480] =	vst v63  }
0x11f: {  	_ =	swait.ge [sflag:s16], $0xA000  }
0x120: {  	[sflag:s16] =	ssyncset.done $0x0  }
0x121: {  	[sflag:s16] =	ssyncadd.s32 $0xFFFF6000  }
0x122: {  	v3 =	vld [tilespmem:$0x1440];
	_ =	sdelay $0x4  }
0x123: {  	v60 =	vshrl.u32 v3, $0x3  }
0x124: {  	v4 =	vmul.u32 $0x28, v60  }
0x125: {  	v3 =	vand.u32 $0x7, v3  }
0x126: {  	v3 =	vor.u32 v3, v4  }
0x127: {  	v4 =	vperm.xlane v3, v0;
	_ =	sdelay $0x1  }
0x128: {  	v4 =	vadd.s32 v1, v4;
	_ =	sdelay $0x3  }
0x129: {  	v3 =	vperm.xlane v3, v2  }
0x12a: {  	[tilespmem:s0], [sflag:$0x1] =	stream.indirect_vreg.gather [hbm4b:s10+s2], $0x80, v4, vm0, $0xb8;
	[tilespmem:$0x1B480] =	vst v63  }
0x12b: {  	v3 =	vadd.s32 v1, v3  }
0x12c: {  	[tilespmem:s1], [sflag:$0x1] =	stream.indirect_vreg.gather [hbm4b:s11+s2], $0x80, v4, vm0, $0xb8;
	[tilespmem:$0x1B480] =	vst v63  }
0x12d: {  	_ = 	snop  }
0x12e: {  	[tilespmem:s6], [sflag:$0x1] =	stream.indirect_vreg.gather [hbm4b:s20+s2], $0x80, v4, vm1, $0xb8;
	[tilespmem:$0x1B480] =	vst v63  }
0x12f: {  	_ = 	snop  }
0x130: {  	[tilespmem:s7], [sflag:$0x1] =	stream.indirect_vreg.gather [hbm4b:s10+s2], $0x80, v3, vm0, $0xb8;
	[tilespmem:$0x1B480] =	vst v63  }
0x131: {  	_ = 	snop  }
0x132: {  	[tilespmem:s8], [sflag:$0x1] =	stream.indirect_vreg.gather [hbm4b:s11+s2], $0x80, v3, vm0, $0xb8;
	[tilespmem:$0x1B480] =	vst v63  }
0x133: {  	_ = 	snop  }
0x134: {  	[tilespmem:s12], [sflag:$0x1] =	stream.indirect_vreg.gather [hbm4b:s20+s2], $0x80, v3, vm1, $0xb8;
	[tilespmem:$0x1B480] =	vst v63  }
0x135: {  	v3 =	vld [tilespmem:$0x1450];
	_ =	sdelay $0x4  }
0x136: {  	v61 =	vshrl.u32 v3, $0x3  }
0x137: {  	v4 =	vmul.u32 $0x28, v61  }
0x138: {  	v3 =	vand.u32 $0x7, v3  }
0x139: {  	v3 =	vor.u32 v3, v4  }
0x13a: {  	v4 =	vperm.xlane v3, v0;
	_ =	sdelay $0x1  }
0x13b: {  	v4 =	vadd.s32 v1, v4;
	_ =	sdelay $0x3  }
0x13c: {  	v3 =	vperm.xlane v3, v2  }
0x13d: {  	[tilespmem:s13], [sflag:$0x1] =	stream.indirect_vreg.gather [hbm4b:s10+s2], $0x80, v4, vm0, $0xb8;
	[tilespmem:$0x1B480] =	vst v63  }
0x13e: {  	v3 =	vadd.s32 v1, v3  }
0x13f: {  	[tilespmem:s17], [sflag:$0x1] =	stream.indirect_vreg.gather [hbm4b:s11+s2], $0x80, v4, vm0, $0xb8;
	[tilespmem:$0x1B480] =	vst v63  }
0x140: {  	_ = 	snop  }
0x141: {  	[tilespmem:s18], [sflag:$0x1] =	stream.indirect_vreg.gather [hbm4b:s20+s2], $0x80, v4, vm1, $0xb8;
	[tilespmem:$0x1B480] =	vst v63  }
0x142: {  	_ = 	snop  }
0x143: {  	[tilespmem:s19], [sflag:$0x1] =	stream.indirect_vreg.gather [hbm4b:s10+s2], $0x80, v3, vm0, $0xb8;
	[tilespmem:$0x1B480] =	vst v63  }
0x144: {  	_ = 	snop  }
0x145: {  	[tilespmem:s22], [sflag:$0x1] =	stream.indirect_vreg.gather [hbm4b:s11+s2], $0x80, v3, vm0, $0xb8;
	[tilespmem:$0x1B480] =	vst v63  }
0x146: {  	_ = 	snop  }
0x147: {  	[tilespmem:s23], [sflag:$0x1] =	stream.indirect_vreg.gather [hbm4b:s20+s2], $0x80, v3, vm1, $0xb8;
	[tilespmem:$0x1B480] =	vst v63  }
0x148: {  	v3 =	vld [tilespmem:$0x1460];
	_ =	sdelay $0x4  }
0x149: {  	v62 =	vshrl.u32 v3, $0x3  }
0x14a: {  	v4 =	vmul.u32 $0x28, v62  }
0x14b: {  	v3 =	vand.u32 $0x7, v3  }
0x14c: {  	v3 =	vor.u32 v3, v4  }
0x14d: {  	v4 =	vperm.xlane v3, v0;
	_ =	sdelay $0x1  }
0x14e: {  	v4 =	vadd.s32 v1, v4;
	_ =	sdelay $0x3  }
0x14f: {  	v3 =	vperm.xlane v3, v2  }
0x150: {  	[tilespmem:s24], [sflag:$0x1] =	stream.indirect_vreg.gather [hbm4b:s10+s2], $0x80, v4, vm0, $0xb8;
	[tilespmem:$0x1B480] =	vst v63  }
0x151: {  	v3 =	vadd.s32 v1, v3  }
0x152: {  	[tilespmem:s25], [sflag:$0x1] =	stream.indirect_vreg.gather [hbm4b:s11+s2], $0x80, v4, vm0, $0xb8;
	[tilespmem:$0x1B480] =	vst v63  }
0x153: {  	_ = 	snop  }
0x154: {  	[tilespmem:s26], [sflag:$0x1] =	stream.indirect_vreg.gather [hbm4b:s20+s2], $0x80, v4, vm1, $0xb8;
	[tilespmem:$0x1B480] =	vst v63  }
0x155: {  	_ = 	snop  }
0x156: {  	[tilespmem:s28], [sflag:$0x1] =	stream.indirect_vreg.gather [hbm4b:s10+s2], $0x80, v3, vm0, $0xb8;
	[tilespmem:$0x1B480] =	vst v63  }
0x157: {  	_ = 	snop  }
0x158: {  	[tilespmem:s29], [sflag:$0x1] =	stream.indirect_vreg.gather [hbm4b:s11+s2], $0x80, v3, vm0, $0xb8;
	[tilespmem:$0x1B480] =	vst v63  }
0x159: {  	_ = 	snop  }
0x15a: {  	[tilespmem:s30], [sflag:$0x1] =	stream.indirect_vreg.gather [hbm4b:s20+s2], $0x80, v3, vm1, $0xb8;
	[tilespmem:$0x1B480] =	vst v63  }
0x15b: {  	v3 =	vld [tilespmem:$0x1470];
	_ =	sdelay $0x4  }
0x15c: {  	v63 =	vshrl.u32 v3, $0x3  }
0x15d: {  	v4 =	vmul.u32 $0x28, v63  }
0x15e: {  	v3 =	vand.u32 $0x7, v3  }
0x15f: {  	v3 =	vor.u32 v3, v4  }
0x160: {  	v4 =	vperm.xlane v3, v0;
	_ =	sdelay $0x1  }
0x161: {  	v4 =	vadd.s32 v1, v4;
	_ =	sdelay $0x3  }
0x162: {  	v3 =	vperm.xlane v3, v2  }
0x163: {  	[tilespmem:s31], [sflag:$0x1] =	stream.indirect_vreg.gather [hbm4b:s10+s2], $0x80, v4, vm0, $0xb8;
	[tilespmem:$0x1B480] =	vst v63  }
0x164: {  	s23 =	simm.s32 $0x19480;
	v3 =	vadd.s32 v1, v3  }
0x165: {  	[tilespmem:s23], [sflag:$0x1] =	stream.indirect_vreg.gather [hbm4b:s11+s2], $0x80, v4, vm0, $0xb8;
	[tilespmem:$0x1B480] =	vst v63  }
0x166: {  	s24 =	simm.s32 $0x19C80  }
0x167: {  	[tilespmem:s24], [sflag:$0x1] =	stream.indirect_vreg.gather [hbm4b:s20+s2], $0x80, v4, vm1, $0xb8;
	[tilespmem:$0x1B480] =	vst v63  }
0x168: {  	s25 =	simm.s32 $0x1A080  }
0x169: {  	[tilespmem:s25], [sflag:$0x1] =	stream.indirect_vreg.gather [hbm4b:s10+s2], $0x80, v3, vm0, $0xb8;
	[tilespmem:$0x1B480] =	vst v63  }
0x16a: {  	s26 =	simm.s32 $0x1A880  }
0x16b: {  	[tilespmem:s26], [sflag:$0x1] =	stream.indirect_vreg.gather [hbm4b:s11+s2], $0x80, v3, vm0, $0xb8;
	[tilespmem:$0x1B480] =	vst v63  }
0x16c: {  	s28 =	simm.s32 $0x1B080  }
0x16d: {  	[tilespmem:s28], [sflag:$0x1] =	stream.indirect_vreg.gather [hbm4b:s20+s2], $0x80, v3, vm1, $0xb8;
	[tilespmem:$0x1B480] =	vst v63  }
0x16e: {  	_ =	swait.ge [sflag:s14], $0xA000  }
0x16f: {  	[sflag:s14] =	ssyncset.done $0x0  }
0x170: {  	s29 =	rddreg [dreg:$0x17];
	[sflag:s14] =	ssyncadd.s32 $0xFFFF6000  }
0x171: {  	[hbm4b:s29+s2] =	stream.linear.scatter [tilespmem:s0], [sflag:$0x2], $0xA000, $0x38;
	[tilespmem:$0x1B480] =	vst v63  }
0x172: {  	_ =	swait.ge [sflag:s16], $0xA000  }
0x173: {  	s30 =	rddreg [dreg:$0x19]  }
0x174: {  	s31 =	rddreg [dreg:$0x15];
	s0 =	sadd.s32 $0x1, s30  }
0x175: {  	p0 =	sne.s32 s0, s31  }
.Ltmp2:
0x176: {  	_ = 	snop;
	(pc) =	sbr.rel @p0 .LBB2_1-.Ltmp2, $3  }
0x177: {  	_ =	sdelay $0x1  }
0x178: {  	[sflag:s16] =	ssyncset.done $0x0  }
0x179: {  	s22 =	simm.s32 $0x1480;
	[sflag:s16] =	ssyncadd.s32 $0xFFFF6000  }
0x17a: {  	_ =	sfence.sel $0x180000  }
0x17b: {  	[bflag:$0x0] =	sbarrier.arrive $0xFFFF  }
0x17c: {  	_ =	strace $0x90000047  }
0x17d: {  	s0 =	stileid.u32;
	[bflag:$0x2] =	sbarrier.arrive $0xFFFF  }
0x17e: {  	p0 =	sne.s32 s0, $0x0;
	s0 =	rddreg [dreg:$0x2]  }
0x17f: {  	s0 =	sadd.s32 @!p0 $0x100000, s0  }
0x180: {  	[sflag:s0] =	ssyncadd.tile.s32 @!p0 $0x1;
	_ =	shalt  }
.Lfunc_end2:
_tile_overlayer_lowered:
.L_overlay_start_2:
0x181: {  	(tag) =	ssettag $0x2  }
0x182: {  	s0 =	rddreg [dreg:$0x0];
	s2 =	stileid.u32  }
0x183: {  	s1 =	rddreg [dreg:$0x1];
	p0 =	sne.s32 s2, $0x0  }
0x184: {  	s3 =	rddreg [dreg:$0x2];
	[bflag:$0x3] =	sbarrier.arrive $0xFFFF;
	s2 =	simm.s32 @!p0 $0x1C02  }
0x185: {  	[timem:s3], [sflag:s2] =	dma.local @!p0 [hbm:s0], s1  }
0x186: {  	s0 =	simm.s32 @!p0 $0x2  }
0x187: {  	_ =	swait.ge @!p0 [sflag:s0], s1  }
0x188: {  	s1 =	ssub.s32 @!p0 $0x0, s1;
	[sflag:s0] =	ssyncset.done @!p0 $0x0  }
0x189: {  	[sflag:s0] =	ssyncadd.s32 @!p0 s1  }
0x18a: {  	[bflag:$0x3] =	sbarrier.arrive $0xFFFF  }
0x18b: {  	_ =	shalt  }

</sc_bundles>
